<compile_context>
chip_gen: v7x
topology: tpu7x:2x2x1
jax: 0.10.2.dev20260603
libtpu: 0.0.44.dev20260713+nightly
codegen_flags: <defaults>
</compile_context>

<pallas_src>
import functools

import jax
import jax.numpy as jnp
from jax import lax
from jax.experimental import pallas as pl
from jax.experimental.pallas import tpu as pltpu
from jax.experimental.pallas import tpu_sc as plsc

K = 8
N = 16384
M = 8192
D = 64
NB = 8

QB = 256
CHUNK = 2560
STEP = 512
NSTARTS = (N - CHUNK) // STEP + 1
CPS = CHUNK // STEP

PADW = 128

QC = 512
RB = QC * K

_REAL_MAX = 1e10
_EXTRACTED = 1e30
_CONSUMED = 1e38


def _knn_body(ws_ref, wn_ref, cs_ref, coords_b_ref, ps_ref, pts_b_ref,
              qb_ref, idx_ref, d_scr, rv_ref):
    i = pl.program_id(0)
    ps = ps_ref[...]
    pbx = pts_b_ref[:, 0:1]
    pby = pts_b_ref[:, 1:2]
    pbz = pts_b_ref[:, 2:3]
    qlo = qb_ref[:, 0:1]
    qhi = qb_ref[:, 1:2]

    rv_ref[...] = jnp.full((QB, K), _EXTRACTED, jnp.float32)
    idx_ref[...] = jnp.zeros((QB, K), jnp.int32)

    w0 = ws_ref[i]
    wn = wn_ref[i]

    def load_chunk(c, fresh_lo=None):
        cs = cs_ref[c]
        cb = coords_b_ref[c]
        dot = (pbx * cb[0:1, :] + pby * cb[1:2, :]
               + pbz * cb[2:3, :])
        d2 = ps + cs - 2.0 * dot
        gi = jax.lax.broadcasted_iota(jnp.int32, (QB, CHUNK), 1) + c * STEP
        valid = (gi >= qlo) & (gi < qhi)
        if fresh_lo is not None:
            valid = valid & (gi >= fresh_lo)
        d_scr[...] = jnp.where(valid, d2, jnp.float32(_REAL_MAX))
        return gi

    def extract8(gi):
        cand_v = []
        cand_i = []
        for _ in range(K):
            d = d_scr[...]
            m = jnp.min(d, axis=1, keepdims=True)
            eq = d == m
            am = jnp.min(jnp.where(eq, gi, jnp.int32(2**31 - 1)),
                         axis=1, keepdims=True)
            cand_v.append(m)
            cand_i.append(am)
            d_scr[...] = jnp.where(eq, jnp.float32(_EXTRACTED), d)
        return cand_v, cand_i

    gi0 = load_chunk(w0)
    cv0, ci0 = extract8(gi0)
    rv_ref[...] = jnp.concatenate(cv0, axis=1)
    idx_ref[...] = jnp.concatenate(ci0, axis=1)

    def chunk_body(t, carry):
        c = jnp.minimum(w0 + CPS * t, NSTARTS - 1)
        gi = load_chunk(c, fresh_lo=w0 * STEP + t * CHUNK)
        cand_v, cand_i = extract8(gi)
        allv = jnp.concatenate([rv_ref[...]] + cand_v, axis=1)
        alli = jnp.concatenate([idx_ref[...]] + cand_i, axis=1)
        pos = jax.lax.broadcasted_iota(jnp.int32, (QB, 2 * K), 1)
        new_v = []
        new_i = []
        for _ in range(K):
            m = jnp.min(allv, axis=1, keepdims=True)
            p = jnp.min(jnp.where(allv == m, pos, jnp.int32(2 * K)),
                        axis=1, keepdims=True)
            sel = pos == p
            new_v.append(m)
            new_i.append(jnp.min(jnp.where(sel, alli, jnp.int32(2**31 - 1)),
                                 axis=1, keepdims=True))
            allv = jnp.where(sel, jnp.float32(_CONSUMED), allv)
        rv_ref[...] = jnp.concatenate(new_v, axis=1)
        idx_ref[...] = jnp.concatenate(new_i, axis=1)
        return carry

    jax.lax.fori_loop(1, wn, chunk_body, 0)


def _knn_call(ws, wn, cs_c, coords_cb, ps, pts_b, qb):
    grid_spec = pltpu.PrefetchScalarGridSpec(
        num_scalar_prefetch=2,
        grid=(M // QB,),
        in_specs=[
            pl.BlockSpec((NSTARTS, 1, CHUNK), lambda i, ws, wn: (0, 0, 0)),
            pl.BlockSpec((NSTARTS, 3, CHUNK), lambda i, ws, wn: (0, 0, 0)),
            pl.BlockSpec((QB, 1), lambda i, ws, wn: (i, 0)),
            pl.BlockSpec((QB, 3), lambda i, ws, wn: (i, 0)),
            pl.BlockSpec((QB, 2), lambda i, ws, wn: (i, 0)),
        ],
        out_specs=pl.BlockSpec((QB, K), lambda i, ws, wn: (i, 0)),
        scratch_shapes=[
            pltpu.VMEM((QB, CHUNK), jnp.float32),
            pltpu.VMEM((QB, K), jnp.float32),
        ],
    )
    return pl.pallas_call(
        _knn_body,
        grid_spec=grid_spec,
        out_shape=jax.ShapeDtypeStruct((M, K), jnp.int32),
    )(ws, wn, cs_c, coords_cb, ps, pts_b, qb)


_NW = 32
_BPW = (M * K) // _NW
_GCH = 512


def _gather_call(idx_flat, table):
    mesh = plsc.VectorSubcoreMesh(core_axis_name="c", subcore_axis_name="s")

    @functools.partial(
        pl.kernel,
        mesh=mesh,
        out_type=jax.ShapeDtypeStruct((M * K, PADW), jnp.float32),
        scratch_types=[
            pltpu.VMEM((_GCH,), jnp.int32),
            pltpu.VMEM((_GCH, PADW), jnp.float32),
            pltpu.SemaphoreType.DMA,
        ],
    )
    def gather_kernel(idx_hbm, tab_hbm, out_hbm, idx_v, rows_v, sem):
        wid = lax.axis_index("s") * 2 + lax.axis_index("c")
        base = wid * _BPW
        for t in range(_BPW // _GCH):
            off = base + t * _GCH
            pltpu.sync_copy(idx_hbm.at[pl.ds(off, _GCH)], idx_v)
            pltpu.async_copy(tab_hbm.at[idx_v], rows_v, sem).wait()
            pltpu.sync_copy(rows_v, out_hbm.at[pl.ds(off, _GCH)])

    return gather_kernel(idx_flat, table)


def _mlp_body(g_ref, p_ref, w00, b00, w01, b01, wsc, w10, b10, w11, b11, out_ref):
    g = g_ref[...]
    p3 = p_ref[...]
    pr = jnp.broadcast_to(p3[:, None, :], (QC, K, 3)).reshape(RB, 3)
    h = jnp.concatenate([g[:, :D], g[:, D:D + 3] - pr, g[:, D + 3:]], axis=1)
    hp = jnp.maximum(h, 0.0)
    dot = functools.partial(
        lax.dot_general,
        dimension_numbers=(((1,), (0,)), ((), ())),
        preferred_element_type=jnp.float32,
    )
    net = dot(hp, w00[...]) + b00[...]
    dx = dot(jnp.maximum(net, 0.0), w01[...]) + b01[...]
    h1 = dot(h, wsc[...]) + dx
    net2 = dot(jnp.maximum(h1, 0.0), w10[...]) + b10[...]
    dx2 = dot(jnp.maximum(net2, 0.0), w11[...]) + b11[...]
    h2 = h1 + dx2
    out_ref[...] = jnp.max(h2.reshape(QC, K, D), axis=1)


def _mlp_call(g, pts, w00, b00, w01, b01, wsc, w10, b10, w11, b11):
    def c(shape):
        return pl.BlockSpec(shape, lambda i: tuple(0 for _ in shape))

    return pl.pallas_call(
        _mlp_body,
        grid=(M // QC,),
        in_specs=[
            pl.BlockSpec((RB, PADW), lambda i: (i, 0)),
            pl.BlockSpec((QC, 3), lambda i: (i, 0)),
            c((PADW, D)), c((1, D)), c((D, D)), c((1, D)),
            c((PADW, D)), c((D, D)), c((1, D)), c((D, D)), c((1, D)),
        ],
        out_specs=pl.BlockSpec((QC, D), lambda i: (i, 0)),
        out_shape=jax.ShapeDtypeStruct((M, D), jnp.float32),
    )(g, pts, w00, b00, w01, b01, wsc, w10, b10, w11, b11)


def kernel(feats, coords, batch_x, pts, batch_y, W0_fc0, b0_fc0, W0_fc1,
           b0_fc1, W0_sc, W1_fc0, b1_fc0, W1_fc1, b1_fc1):
    batch_x = batch_x.astype(jnp.int32)
    batch_y = batch_y.astype(jnp.int32)

    ids = jnp.arange(NB, dtype=jnp.int32)
    x_start = jnp.searchsorted(batch_x, ids, side="left").astype(jnp.int32)
    x_end = jnp.searchsorted(batch_x, ids, side="right").astype(jnp.int32)
    qlo = x_start[batch_y]
    qhi = x_end[batch_y]
    qb = jnp.stack([qlo, qhi], axis=1)

    by = batch_y.reshape(M // QB, QB)
    ws_elem = x_start[by[:, 0]]
    we_elem = x_end[by[:, -1]]
    ws = jnp.clip(ws_elem // STEP, 0, NSTARTS - 1).astype(jnp.int32)
    wn = jnp.clip(-((ws * STEP - we_elem) // CHUNK), 1,
                  -(-N // CHUNK)).astype(jnp.int32)

    coords_t = coords.T
    css = jnp.sum(coords * coords, axis=1)
    cs_c = jnp.stack([css[None, s * STEP:s * STEP + CHUNK]
                      for s in range(NSTARTS)])
    coords_cb = jax.lax.reduce_precision(
        jnp.stack([coords_t[:, s * STEP:s * STEP + CHUNK]
                   for s in range(NSTARTS)]), 8, 7)
    ps = jnp.sum(pts * pts, axis=1, keepdims=True)
    pts_b = jax.lax.reduce_precision(pts, 8, 7)
    x_idx = _knn_call(ws, wn, cs_c, coords_cb, ps, pts_b, qb)

    table = jnp.pad(jnp.concatenate([feats, coords], axis=1),
                    ((0, 0), (0, PADW - D - 3)))
    g = _gather_call(x_idx.reshape(-1), table)

    w00 = jnp.pad(W0_fc0, ((0, PADW - D - 3), (0, 0)))
    wsc = jnp.pad(W0_sc, ((0, PADW - D - 3), (0, 0)))
    return _mlp_call(g, pts, w00, b0_fc0.reshape(1, D), W0_fc1,
                     b0_fc1.reshape(1, D), wsc, W1_fc0,
                     b1_fc0.reshape(1, D), W1_fc1, b1_fc1.reshape(1, D))

# --- scband reference (transcript-rebuilt; emitter-appended) ---
"""Pipeline reference for scband-point-net-knn-interpolator-78005196030106 (READ-ONLY COPY).

The authoritative reference and input builder live on the scoring server;
editing this copy changes nothing except your own understanding.
"""

import jax, jax.numpy as jnp
import numpy as np

K = 8
N, M, D, B = 16384, 8192, 64, 8


def setup_inputs(seed: int = 0):
    key = jax.random.key(seed)
    ks = jax.random.split(key, 16)
    feats = jax.random.normal(ks[0], (N, D), dtype=jnp.float32)
    coords = jax.random.uniform(ks[1], (N, 3), dtype=jnp.float32)
    batch_x = jnp.sort(jax.random.randint(ks[2], (N,), 0, B)).astype(jnp.int64)
    pts = jax.random.uniform(ks[3], (M, 3), dtype=jnp.float32)
    batch_y = jnp.sort(jax.random.randint(ks[4], (M,), 0, B)).astype(jnp.int64)
    s0 = 1.0 / np.sqrt(D + 3)
    s1 = 1.0 / np.sqrt(D)
    W0_fc0 = jax.random.uniform(ks[5], (D + 3, D), jnp.float32, -s0, s0)
    b0_fc0 = jnp.zeros((D,), jnp.float32)
    W0_fc1 = jax.random.uniform(ks[6], (D, D), jnp.float32, -s1, s1)
    b0_fc1 = jnp.zeros((D,), jnp.float32)
    W0_sc = jax.random.uniform(ks[7], (D + 3, D), jnp.float32, -s0, s0)
    W1_fc0 = jax.random.uniform(ks[8], (D, D), jnp.float32, -s1, s1)
    b1_fc0 = jnp.zeros((D,), jnp.float32)
    W1_fc1 = jax.random.uniform(ks[9], (D, D), jnp.float32, -s1, s1)
    b1_fc1 = jnp.zeros((D,), jnp.float32)
    return {"feats": feats, "coords": coords, "batch_x": batch_x, "pts": pts, "batch_y": batch_y,
            "W0_fc0": W0_fc0, "b0_fc0": b0_fc0, "W0_fc1": W0_fc1, "b0_fc1": b0_fc1, "W0_sc": W0_sc,
            "W1_fc0": W1_fc0, "b1_fc0": b1_fc0, "W1_fc1": W1_fc1, "b1_fc1": b1_fc1}


def reference(feats, coords, batch_x, pts, batch_y, W0_fc0, b0_fc0, W0_fc1, b0_fc1, W0_sc, W1_fc0, b1_fc0, W1_fc1, b1_fc1):
    # batch-aware knn: squared distances with cross-batch pairs pushed to +inf
    d2 = jnp.sum(pts * pts, axis=1)[:, None] + jnp.sum(coords * coords, axis=1)[None, :] - 2.0 * (pts @ coords.T)
    d2 = d2 + jnp.where(batch_y[:, None] != batch_x[None, :], 1e10, 0.0)
    _, x_idx = jax.lax.top_k(-d2, K)  # [M, K] nearest source indices per query
    x_idx_f = x_idx.reshape(-1)  # [M*K]
    y_idx = jnp.repeat(jnp.arange(M), K)  # [M*K]
    diff = coords[x_idx_f] - pts[y_idx]  # computed under no_grad in torch
    h = jnp.concatenate([feats[x_idx_f], diff], axis=1)  # [M*K, D+3]
    # ResnetBlockFC 1 (size_in=D+3, size_h=D, size_out=D, linear shortcut)
    net = jax.nn.relu(h) @ W0_fc0 + b0_fc0
    dx = jax.nn.relu(net) @ W0_fc1 + b0_fc1
    h1 = h @ W0_sc + dx
    # ResnetBlockFC 2 (size_in=size_out=D, identity shortcut)
    net2 = jax.nn.relu(h1) @ W1_fc0 + b1_fc0
    dx2 = jax.nn.relu(net2) @ W1_fc1 + b1_fc1
    h2 = h1 + dx2
    out = jax.ops.segment_max(h2, y_idx, num_segments=M)
    return out

if __name__ == "__main__":
    import jax
    _d = setup_inputs()
    print(jax.jit(kernel)(*tuple(_d.values())))

</pallas_src>

<mosaic_0001>
#map = affine_map<(d0, d1) -> (0)>
#map1 = affine_map<(d0, d1) -> (0, 0)>
module attributes {stable_mosaic.version = 14 : i64} {
  func.func @gather_kernel(%arg0: i32, %arg1: i32, %arg2: memref<65536xi32, #tpu.memory_space<hbm>>, %arg3: memref<16384x128xf32, #tpu.memory_space<hbm>>, %arg4: memref<65536x128xf32, #tpu.memory_space<hbm>>, %arg5: memref<512xi32, #tpu.memory_space<vmem>>, %arg6: memref<512x128xf32, #tpu.memory_space<vmem>>, %arg7: memref<!tpu.dma_semaphore, #tpu.memory_space<semaphore_mem>>) attributes {dimension_semantics = [#tpu.dimension_semantics<core_parallel>, #tpu.dimension_semantics<subcore_parallel>], iteration_bounds = array<i64: 2, 16>, scalar_prefetch = 0 : i64, scratch_operands = 3 : i64, tpu.core_type = #tpu.core_type<sc_vector_subcore>, window_params = [{transform_indices = #map}, {transform_indices = #map1}, {transform_indices = #map1}]} {
    %mul3A = arith.constant 2 : i32
    %mul3A_0 = arith.muli %arg1, %mul3A : i32
    %add3A = arith.addi %mul3A_0, %arg0 : i32
    %mul3A_1 = arith.constant 2048 : i32
    %mul3A_2 = arith.muli %add3A, %mul3A_1 : i32
    %add3A_3 = arith.constant 0 : i32
    %add3A_4 = arith.addi %mul3A_2, %add3A_3 : i32
    "tpu.region"() ({
      %run_scoped3A = tpu.sem_alloc : memref<!tpu.dma_semaphore, #tpu.memory_space<semaphore_mem>>
      %dma_start3A_33 = tpu.memref_slice %arg2[%add3A_4] : memref<65536xi32, #tpu.memory_space<hbm>> -> memref<512xi32, #tpu.memory_space<hbm>>
      %dma_start3A_34 = tpu.memref_slice %arg2[%add3A_4] : memref<65536xi32, #tpu.memory_space<hbm>> -> memref<512xi32, #tpu.memory_space<hbm>>
      tpu.enqueue_dma source(%dma_start3A_34 : memref<512xi32, #tpu.memory_space<hbm>>) target(%arg5 : memref<512xi32, #tpu.memory_space<vmem>>) target_semaphore(%run_scoped3A : memref<!tpu.dma_semaphore, #tpu.memory_space<semaphore_mem>>)
      %dma_wait3A_35 = tpu.memref_slice %arg2[%add3A_4] : memref<65536xi32, #tpu.memory_space<hbm>> -> memref<512xi32, #tpu.memory_space<hbm>>
      %dma_wait3A_36 = tpu.memref_slice %arg2[%add3A_4] : memref<65536xi32, #tpu.memory_space<hbm>> -> memref<512xi32, #tpu.memory_space<hbm>>
      tpu.wait_dma2 semaphore(%run_scoped3A : memref<!tpu.dma_semaphore, #tpu.memory_space<semaphore_mem>>) src(%dma_wait3A_36 : memref<512xi32, #tpu.memory_space<hbm>>) dst(%arg5 : memref<512xi32, #tpu.memory_space<vmem>>)
      tpu.yield
    }) : () -> ()
    %dma_start3A = arith.constant 0 : i32
    %dma_start3A_5 = arith.constant 0 : i32
    %dma_start3A_6 = tpu.memref_slice %arg3[%dma_start3A, %dma_start3A_5] : memref<16384x128xf32, #tpu.memory_space<hbm>> -> memref<16384x128xf32, #tpu.memory_space<hbm>>
    tpu.enqueue_indirect_dma source(%dma_start3A_6 : memref<16384x128xf32, #tpu.memory_space<hbm>>) target(%arg6 : memref<512x128xf32, #tpu.memory_space<vmem>>) offsets(%arg5 : memref<512xi32, #tpu.memory_space<vmem>>) semaphore(%arg7 : memref<!tpu.dma_semaphore, #tpu.memory_space<semaphore_mem>>)
    %dma_wait3A = arith.constant 0 : i32
    %dma_wait3A_7 = arith.constant 0 : i32
    %dma_wait3A_8 = tpu.memref_slice %arg3[%dma_wait3A, %dma_wait3A_7] : memref<16384x128xf32, #tpu.memory_space<hbm>> -> memref<16384x128xf32, #tpu.memory_space<hbm>>
    tpu.wait_indirect_dma semaphore(%arg7 : memref<!tpu.dma_semaphore, #tpu.memory_space<semaphore_mem>>) src(%dma_wait3A_8 : memref<16384x128xf32, #tpu.memory_space<hbm>>) dst(%arg6 : memref<512x128xf32, #tpu.memory_space<vmem>>)
    "tpu.region"() ({
      %run_scoped3A = tpu.sem_alloc : memref<!tpu.dma_semaphore, #tpu.memory_space<semaphore_mem>>
      %dma_start3A_33 = arith.constant 0 : i32
      %dma_start3A_34 = tpu.memref_slice %arg4[%add3A_4, %dma_start3A_33] : memref<65536x128xf32, #tpu.memory_space<hbm>> -> memref<512x128xf32, #tpu.memory_space<hbm>>
      %dma_start3A_35 = arith.constant 0 : i32
      %dma_start3A_36 = tpu.memref_slice %arg4[%add3A_4, %dma_start3A_35] : memref<65536x128xf32, #tpu.memory_space<hbm>> -> memref<512x128xf32, #tpu.memory_space<hbm>>
      tpu.enqueue_dma source(%arg6 : memref<512x128xf32, #tpu.memory_space<vmem>>) target(%dma_start3A_36 : memref<512x128xf32, #tpu.memory_space<hbm>>) target_semaphore(%run_scoped3A : memref<!tpu.dma_semaphore, #tpu.memory_space<semaphore_mem>>)
      %dma_wait3A_37 = arith.constant 0 : i32
      %dma_wait3A_38 = tpu.memref_slice %arg4[%add3A_4, %dma_wait3A_37] : memref<65536x128xf32, #tpu.memory_space<hbm>> -> memref<512x128xf32, #tpu.memory_space<hbm>>
      %dma_wait3A_39 = arith.constant 0 : i32
      %dma_wait3A_40 = tpu.memref_slice %arg4[%add3A_4, %dma_wait3A_39] : memref<65536x128xf32, #tpu.memory_space<hbm>> -> memref<512x128xf32, #tpu.memory_space<hbm>>
      tpu.wait_dma2 semaphore(%run_scoped3A : memref<!tpu.dma_semaphore, #tpu.memory_space<semaphore_mem>>) src(%arg6 : memref<512x128xf32, #tpu.memory_space<vmem>>) dst(%dma_wait3A_40 : memref<512x128xf32, #tpu.memory_space<hbm>>)
      tpu.yield
    }) : () -> ()
    %add3A_9 = arith.constant 512 : i32
    %add3A_10 = arith.addi %mul3A_2, %add3A_9 : i32
    "tpu.region"() ({
      %run_scoped3A = tpu.sem_alloc : memref<!tpu.dma_semaphore, #tpu.memory_space<semaphore_mem>>
      %dma_start3A_33 = tpu.memref_slice %arg2[%add3A_10] : memref<65536xi32, #tpu.memory_space<hbm>> -> memref<512xi32, #tpu.memory_space<hbm>>
      %dma_start3A_34 = tpu.memref_slice %arg2[%add3A_10] : memref<65536xi32, #tpu.memory_space<hbm>> -> memref<512xi32, #tpu.memory_space<hbm>>
      tpu.enqueue_dma source(%dma_start3A_34 : memref<512xi32, #tpu.memory_space<hbm>>) target(%arg5 : memref<512xi32, #tpu.memory_space<vmem>>) target_semaphore(%run_scoped3A : memref<!tpu.dma_semaphore, #tpu.memory_space<semaphore_mem>>)
      %dma_wait3A_35 = tpu.memref_slice %arg2[%add3A_10] : memref<65536xi32, #tpu.memory_space<hbm>> -> memref<512xi32, #tpu.memory_space<hbm>>
      %dma_wait3A_36 = tpu.memref_slice %arg2[%add3A_10] : memref<65536xi32, #tpu.memory_space<hbm>> -> memref<512xi32, #tpu.memory_space<hbm>>
      tpu.wait_dma2 semaphore(%run_scoped3A : memref<!tpu.dma_semaphore, #tpu.memory_space<semaphore_mem>>) src(%dma_wait3A_36 : memref<512xi32, #tpu.memory_space<hbm>>) dst(%arg5 : memref<512xi32, #tpu.memory_space<vmem>>)
      tpu.yield
    }) : () -> ()
    %dma_start3A_11 = arith.constant 0 : i32
    %dma_start3A_12 = arith.constant 0 : i32
    %dma_start3A_13 = tpu.memref_slice %arg3[%dma_start3A_11, %dma_start3A_12] : memref<16384x128xf32, #tpu.memory_space<hbm>> -> memref<16384x128xf32, #tpu.memory_space<hbm>>
    tpu.enqueue_indirect_dma source(%dma_start3A_13 : memref<16384x128xf32, #tpu.memory_space<hbm>>) target(%arg6 : memref<512x128xf32, #tpu.memory_space<vmem>>) offsets(%arg5 : memref<512xi32, #tpu.memory_space<vmem>>) semaphore(%arg7 : memref<!tpu.dma_semaphore, #tpu.memory_space<semaphore_mem>>)
    %dma_wait3A_14 = arith.constant 0 : i32
    %dma_wait3A_15 = arith.constant 0 : i32
    %dma_wait3A_16 = tpu.memref_slice %arg3[%dma_wait3A_14, %dma_wait3A_15] : memref<16384x128xf32, #tpu.memory_space<hbm>> -> memref<16384x128xf32, #tpu.memory_space<hbm>>
    tpu.wait_indirect_dma semaphore(%arg7 : memref<!tpu.dma_semaphore, #tpu.memory_space<semaphore_mem>>) src(%dma_wait3A_16 : memref<16384x128xf32, #tpu.memory_space<hbm>>) dst(%arg6 : memref<512x128xf32, #tpu.memory_space<vmem>>)
    "tpu.region"() ({
      %run_scoped3A = tpu.sem_alloc : memref<!tpu.dma_semaphore, #tpu.memory_space<semaphore_mem>>
      %dma_start3A_33 = arith.constant 0 : i32
      %dma_start3A_34 = tpu.memref_slice %arg4[%add3A_10, %dma_start3A_33] : memref<65536x128xf32, #tpu.memory_space<hbm>> -> memref<512x128xf32, #tpu.memory_space<hbm>>
      %dma_start3A_35 = arith.constant 0 : i32
      %dma_start3A_36 = tpu.memref_slice %arg4[%add3A_10, %dma_start3A_35] : memref<65536x128xf32, #tpu.memory_space<hbm>> -> memref<512x128xf32, #tpu.memory_space<hbm>>
      tpu.enqueue_dma source(%arg6 : memref<512x128xf32, #tpu.memory_space<vmem>>) target(%dma_start3A_36 : memref<512x128xf32, #tpu.memory_space<hbm>>) target_semaphore(%run_scoped3A : memref<!tpu.dma_semaphore, #tpu.memory_space<semaphore_mem>>)
      %dma_wait3A_37 = arith.constant 0 : i32
      %dma_wait3A_38 = tpu.memref_slice %arg4[%add3A_10, %dma_wait3A_37] : memref<65536x128xf32, #tpu.memory_space<hbm>> -> memref<512x128xf32, #tpu.memory_space<hbm>>
      %dma_wait3A_39 = arith.constant 0 : i32
      %dma_wait3A_40 = tpu.memref_slice %arg4[%add3A_10, %dma_wait3A_39] : memref<65536x128xf32, #tpu.memory_space<hbm>> -> memref<512x128xf32, #tpu.memory_space<hbm>>
      tpu.wait_dma2 semaphore(%run_scoped3A : memref<!tpu.dma_semaphore, #tpu.memory_space<semaphore_mem>>) src(%arg6 : memref<512x128xf32, #tpu.memory_space<vmem>>) dst(%dma_wait3A_40 : memref<512x128xf32, #tpu.memory_space<hbm>>)
      tpu.yield
    }) : () -> ()
    %add3A_17 = arith.constant 1024 : i32
    %add3A_18 = arith.addi %mul3A_2, %add3A_17 : i32
    "tpu.region"() ({
      %run_scoped3A = tpu.sem_alloc : memref<!tpu.dma_semaphore, #tpu.memory_space<semaphore_mem>>
      %dma_start3A_33 = tpu.memref_slice %arg2[%add3A_18] : memref<65536xi32, #tpu.memory_space<hbm>> -> memref<512xi32, #tpu.memory_space<hbm>>
      %dma_start3A_34 = tpu.memref_slice %arg2[%add3A_18] : memref<65536xi32, #tpu.memory_space<hbm>> -> memref<512xi32, #tpu.memory_space<hbm>>
      tpu.enqueue_dma source(%dma_start3A_34 : memref<512xi32, #tpu.memory_space<hbm>>) target(%arg5 : memref<512xi32, #tpu.memory_space<vmem>>) target_semaphore(%run_scoped3A : memref<!tpu.dma_semaphore, #tpu.memory_space<semaphore_mem>>)
      %dma_wait3A_35 = tpu.memref_slice %arg2[%add3A_18] : memref<65536xi32, #tpu.memory_space<hbm>> -> memref<512xi32, #tpu.memory_space<hbm>>
      %dma_wait3A_36 = tpu.memref_slice %arg2[%add3A_18] : memref<65536xi32, #tpu.memory_space<hbm>> -> memref<512xi32, #tpu.memory_space<hbm>>
      tpu.wait_dma2 semaphore(%run_scoped3A : memref<!tpu.dma_semaphore, #tpu.memory_space<semaphore_mem>>) src(%dma_wait3A_36 : memref<512xi32, #tpu.memory_space<hbm>>) dst(%arg5 : memref<512xi32, #tpu.memory_space<vmem>>)
      tpu.yield
    }) : () -> ()
    %dma_start3A_19 = arith.constant 0 : i32
    %dma_start3A_20 = arith.constant 0 : i32
    %dma_start3A_21 = tpu.memref_slice %arg3[%dma_start3A_19, %dma_start3A_20] : memref<16384x128xf32, #tpu.memory_space<hbm>> -> memref<16384x128xf32, #tpu.memory_space<hbm>>
    tpu.enqueue_indirect_dma source(%dma_start3A_21 : memref<16384x128xf32, #tpu.memory_space<hbm>>) target(%arg6 : memref<512x128xf32, #tpu.memory_space<vmem>>) offsets(%arg5 : memref<512xi32, #tpu.memory_space<vmem>>) semaphore(%arg7 : memref<!tpu.dma_semaphore, #tpu.memory_space<semaphore_mem>>)
    %dma_wait3A_22 = arith.constant 0 : i32
    %dma_wait3A_23 = arith.constant 0 : i32
    %dma_wait3A_24 = tpu.memref_slice %arg3[%dma_wait3A_22, %dma_wait3A_23] : memref<16384x128xf32, #tpu.memory_space<hbm>> -> memref<16384x128xf32, #tpu.memory_space<hbm>>
    tpu.wait_indirect_dma semaphore(%arg7 : memref<!tpu.dma_semaphore, #tpu.memory_space<semaphore_mem>>) src(%dma_wait3A_24 : memref<16384x128xf32, #tpu.memory_space<hbm>>) dst(%arg6 : memref<512x128xf32, #tpu.memory_space<vmem>>)
    "tpu.region"() ({
      %run_scoped3A = tpu.sem_alloc : memref<!tpu.dma_semaphore, #tpu.memory_space<semaphore_mem>>
      %dma_start3A_33 = arith.constant 0 : i32
      %dma_start3A_34 = tpu.memref_slice %arg4[%add3A_18, %dma_start3A_33] : memref<65536x128xf32, #tpu.memory_space<hbm>> -> memref<512x128xf32, #tpu.memory_space<hbm>>
      %dma_start3A_35 = arith.constant 0 : i32
      %dma_start3A_36 = tpu.memref_slice %arg4[%add3A_18, %dma_start3A_35] : memref<65536x128xf32, #tpu.memory_space<hbm>> -> memref<512x128xf32, #tpu.memory_space<hbm>>
      tpu.enqueue_dma source(%arg6 : memref<512x128xf32, #tpu.memory_space<vmem>>) target(%dma_start3A_36 : memref<512x128xf32, #tpu.memory_space<hbm>>) target_semaphore(%run_scoped3A : memref<!tpu.dma_semaphore, #tpu.memory_space<semaphore_mem>>)
      %dma_wait3A_37 = arith.constant 0 : i32
      %dma_wait3A_38 = tpu.memref_slice %arg4[%add3A_18, %dma_wait3A_37] : memref<65536x128xf32, #tpu.memory_space<hbm>> -> memref<512x128xf32, #tpu.memory_space<hbm>>
      %dma_wait3A_39 = arith.constant 0 : i32
      %dma_wait3A_40 = tpu.memref_slice %arg4[%add3A_18, %dma_wait3A_39] : memref<65536x128xf32, #tpu.memory_space<hbm>> -> memref<512x128xf32, #tpu.memory_space<hbm>>
      tpu.wait_dma2 semaphore(%run_scoped3A : memref<!tpu.dma_semaphore, #tpu.memory_space<semaphore_mem>>) src(%arg6 : memref<512x128xf32, #tpu.memory_space<vmem>>) dst(%dma_wait3A_40 : memref<512x128xf32, #tpu.memory_space<hbm>>)
      tpu.yield
    }) : () -> ()
    %add3A_25 = arith.constant 1536 : i32
    %add3A_26 = arith.addi %mul3A_2, %add3A_25 : i32
    "tpu.region"() ({
      %run_scoped3A = tpu.sem_alloc : memref<!tpu.dma_semaphore, #tpu.memory_space<semaphore_mem>>
      %dma_start3A_33 = tpu.memref_slice %arg2[%add3A_26] : memref<65536xi32, #tpu.memory_space<hbm>> -> memref<512xi32, #tpu.memory_space<hbm>>
      %dma_start3A_34 = tpu.memref_slice %arg2[%add3A_26] : memref<65536xi32, #tpu.memory_space<hbm>> -> memref<512xi32, #tpu.memory_space<hbm>>
      tpu.enqueue_dma source(%dma_start3A_34 : memref<512xi32, #tpu.memory_space<hbm>>) target(%arg5 : memref<512xi32, #tpu.memory_space<vmem>>) target_semaphore(%run_scoped3A : memref<!tpu.dma_semaphore, #tpu.memory_space<semaphore_mem>>)
      %dma_wait3A_35 = tpu.memref_slice %arg2[%add3A_26] : memref<65536xi32, #tpu.memory_space<hbm>> -> memref<512xi32, #tpu.memory_space<hbm>>
      %dma_wait3A_36 = tpu.memref_slice %arg2[%add3A_26] : memref<65536xi32, #tpu.memory_space<hbm>> -> memref<512xi32, #tpu.memory_space<hbm>>
      tpu.wait_dma2 semaphore(%run_scoped3A : memref<!tpu.dma_semaphore, #tpu.memory_space<semaphore_mem>>) src(%dma_wait3A_36 : memref<512xi32, #tpu.memory_space<hbm>>) dst(%arg5 : memref<512xi32, #tpu.memory_space<vmem>>)
      tpu.yield
    }) : () -> ()
    %dma_start3A_27 = arith.constant 0 : i32
    %dma_start3A_28 = arith.constant 0 : i32
    %dma_start3A_29 = tpu.memref_slice %arg3[%dma_start3A_27, %dma_start3A_28] : memref<16384x128xf32, #tpu.memory_space<hbm>> -> memref<16384x128xf32, #tpu.memory_space<hbm>>
    tpu.enqueue_indirect_dma source(%dma_start3A_29 : memref<16384x128xf32, #tpu.memory_space<hbm>>) target(%arg6 : memref<512x128xf32, #tpu.memory_space<vmem>>) offsets(%arg5 : memref<512xi32, #tpu.memory_space<vmem>>) semaphore(%arg7 : memref<!tpu.dma_semaphore, #tpu.memory_space<semaphore_mem>>)
    %dma_wait3A_30 = arith.constant 0 : i32
    %dma_wait3A_31 = arith.constant 0 : i32
    %dma_wait3A_32 = tpu.memref_slice %arg3[%dma_wait3A_30, %dma_wait3A_31] : memref<16384x128xf32, #tpu.memory_space<hbm>> -> memref<16384x128xf32, #tpu.memory_space<hbm>>
    tpu.wait_indirect_dma semaphore(%arg7 : memref<!tpu.dma_semaphore, #tpu.memory_space<semaphore_mem>>) src(%dma_wait3A_32 : memref<16384x128xf32, #tpu.memory_space<hbm>>) dst(%arg6 : memref<512x128xf32, #tpu.memory_space<vmem>>)
    "tpu.region"() ({
      %run_scoped3A = tpu.sem_alloc : memref<!tpu.dma_semaphore, #tpu.memory_space<semaphore_mem>>
      %dma_start3A_33 = arith.constant 0 : i32
      %dma_start3A_34 = tpu.memref_slice %arg4[%add3A_26, %dma_start3A_33] : memref<65536x128xf32, #tpu.memory_space<hbm>> -> memref<512x128xf32, #tpu.memory_space<hbm>>
      %dma_start3A_35 = arith.constant 0 : i32
      %dma_start3A_36 = tpu.memref_slice %arg4[%add3A_26, %dma_start3A_35] : memref<65536x128xf32, #tpu.memory_space<hbm>> -> memref<512x128xf32, #tpu.memory_space<hbm>>
      tpu.enqueue_dma source(%arg6 : memref<512x128xf32, #tpu.memory_space<vmem>>) target(%dma_start3A_36 : memref<512x128xf32, #tpu.memory_space<hbm>>) target_semaphore(%run_scoped3A : memref<!tpu.dma_semaphore, #tpu.memory_space<semaphore_mem>>)
      %dma_wait3A_37 = arith.constant 0 : i32
      %dma_wait3A_38 = tpu.memref_slice %arg4[%add3A_26, %dma_wait3A_37] : memref<65536x128xf32, #tpu.memory_space<hbm>> -> memref<512x128xf32, #tpu.memory_space<hbm>>
      %dma_wait3A_39 = arith.constant 0 : i32
      %dma_wait3A_40 = tpu.memref_slice %arg4[%add3A_26, %dma_wait3A_39] : memref<65536x128xf32, #tpu.memory_space<hbm>> -> memref<512x128xf32, #tpu.memory_space<hbm>>
      tpu.wait_dma2 semaphore(%run_scoped3A : memref<!tpu.dma_semaphore, #tpu.memory_space<semaphore_mem>>) src(%arg6 : memref<512x128xf32, #tpu.memory_space<vmem>>) dst(%dma_wait3A_40 : memref<512x128xf32, #tpu.memory_space<hbm>>)
      tpu.yield
    }) : () -> ()
    return
  }
}

module attributes {stable_mosaic.version = 14 : i64} {
  func.func @_knn_body(%arg0: i32, %arg1: memref<32xi32, #tpu.memory_space<smem>>, %arg2: memref<32xi32, #tpu.memory_space<smem>>, %arg3: memref<28x1x2560xf32, #tpu.memory_space<vmem>>, %arg4: memref<28x3x2560xf32, #tpu.memory_space<vmem>>, %arg5: memref<256x1xf32, #tpu.memory_space<vmem>>, %arg6: memref<256x3xf32, #tpu.memory_space<vmem>>, %arg7: memref<256x2xi32, #tpu.memory_space<vmem>>, %arg8: memref<256x8xi32, #tpu.memory_space<vmem>>, %arg9: memref<256x2560xf32, #tpu.memory_space<vmem>>, %arg10: memref<256x8xf32, #tpu.memory_space<vmem>>) attributes {dimension_semantics = [#tpu.dimension_semantics<arbitrary>], iteration_bounds = array<i64: 32>, scalar_prefetch = 2 : i64, scratch_operands = 2 : i64, tpu.core_type = #tpu.core_type<tc>, window_params = [{pipeline_mode = #tpu.pipeline_mode<synchronous>, transform_indices = @transform_0, window_bounds = array<i64: 28, 1, 2560>}, {pipeline_mode = #tpu.pipeline_mode<synchronous>, transform_indices = @transform_1, window_bounds = array<i64: 28, 3, 2560>}, {transform_indices = @transform_2, window_bounds = array<i64: 256, 1>}, {transform_indices = @transform_3, window_bounds = array<i64: 256, 3>}, {transform_indices = @transform_4, window_bounds = array<i64: 256, 2>}, {transform_indices = @transform_5, window_bounds = array<i64: 256, 8>}]} {
    %get3A = arith.constant 0 : index
    %get3A_0 = arith.constant 0 : index
    %get3A_1 = vector.load %arg5[%get3A, %get3A_0] : memref<256x1xf32, #tpu.memory_space<vmem>>, vector<256x1xf32>
    %get3A_2 = arith.constant 0 : index
    %get3A_3 = arith.constant 0 : index
    %get3A_4 = vector.load %arg6[%get3A_2, %get3A_3] : memref<256x3xf32, #tpu.memory_space<vmem>>, vector<256x1xf32>
    %get3A_5 = arith.constant 0 : index
    %get3A_6 = arith.constant 1 : index
    %get3A_7 = vector.load %arg6[%get3A_5, %get3A_6] : memref<256x3xf32, #tpu.memory_space<vmem>>, vector<256x1xf32>
    %get3A_8 = arith.constant 0 : index
    %get3A_9 = arith.constant 2 : index
    %get3A_10 = vector.load %arg6[%get3A_8, %get3A_9] : memref<256x3xf32, #tpu.memory_space<vmem>>, vector<256x1xf32>
    %get3A_11 = arith.constant 0 : index
    %get3A_12 = arith.constant 0 : index
    %get3A_13 = vector.load %arg7[%get3A_11, %get3A_12] : memref<256x2xi32, #tpu.memory_space<vmem>>, vector<256x1xi32>
    %get3A_14 = arith.constant 0 : index
    %get3A_15 = arith.constant 1 : index
    %get3A_16 = vector.load %arg7[%get3A_14, %get3A_15] : memref<256x2xi32, #tpu.memory_space<vmem>>, vector<256x1xi32>
    %broadcast_in_dim3A = arith.constant 1.000000e+30 : f32
    %broadcast_in_dim3A_17 = vector.broadcast %broadcast_in_dim3A : f32 to vector<256x8xf32>
    %swap3A = arith.constant 0 : index
    %swap3A_18 = arith.constant 0 : index
    %swap3A_19 = vector.load %arg10[%swap3A, %swap3A_18] : memref<256x8xf32, #tpu.memory_space<vmem>>, vector<256x8xf32>
    tpu.vector_store %arg10[%swap3A, %swap3A_18], %broadcast_in_dim3A_17 {strides = array<i32>} : memref<256x8xf32, #tpu.memory_space<vmem>>, vector<256x8xf32>,
    %broadcast_in_dim3A_20 = arith.constant 0 : i32
    %broadcast_in_dim3A_21 = vector.broadcast %broadcast_in_dim3A_20 : i32 to vector<256x8xi32>
    %swap3A_22 = arith.constant 0 : index
    %swap3A_23 = arith.constant 0 : index
    %swap3A_24 = vector.load %arg8[%swap3A_22, %swap3A_23] : memref<256x8xi32, #tpu.memory_space<vmem>>, vector<256x8xi32>
    tpu.vector_store %arg8[%swap3A_22, %swap3A_23], %broadcast_in_dim3A_21 {strides = array<i32>} : memref<256x8xi32, #tpu.memory_space<vmem>>, vector<256x8xi32>,
    %get3A_25 = arith.index_cast %arg0 : i32 to index
    %get3A_26 = memref.load %arg1[%get3A_25] : memref<32xi32, #tpu.memory_space<smem>>
    %get3A_27 = arith.index_cast %arg0 : i32 to index
    %get3A_28 = memref.load %arg2[%get3A_27] : memref<32xi32, #tpu.memory_space<smem>>
    %get3A_29 = arith.index_cast %get3A_26 : i32 to index
    %get3A_30 = arith.constant 0 : index
    %get3A_31 = arith.constant 0 : index
    %get3A_32 = vector.load %arg3[%get3A_29, %get3A_30, %get3A_31] : memref<28x1x2560xf32, #tpu.memory_space<vmem>>, vector<1x1x2560xf32>
    %get3A_33 = vector.shape_cast %get3A_32 : vector<1x1x2560xf32> to vector<1x2560xf32>
    %get3A_34 = arith.index_cast %get3A_26 : i32 to index
    %get3A_35 = arith.constant 0 : index
    %get3A_36 = arith.constant 0 : index
    %get3A_37 = vector.load %arg4[%get3A_34, %get3A_35, %get3A_36] : memref<28x3x2560xf32, #tpu.memory_space<vmem>>, vector<1x3x2560xf32>
    %get3A_38 = vector.shape_cast %get3A_37 : vector<1x3x2560xf32> to vector<3x2560xf32>
    %slice3A = vector.extract_strided_slice %get3A_38 {offsets = [0, 0], sizes = [1, 2560], strides = [1, 1]} : vector<3x2560xf32> to vector<1x2560xf32>
    %mul3A = vector.broadcast %get3A_4 : vector<256x1xf32> to vector<256x2560xf32>
    %mul3A_39 = vector.broadcast %slice3A : vector<1x2560xf32> to vector<256x2560xf32>
    %mul3A_40 = arith.mulf %mul3A, %mul3A_39 : vector<256x2560xf32>
    %slice3A_41 = vector.extract_strided_slice %get3A_38 {offsets = [1, 0], sizes = [1, 2560], strides = [1, 1]} : vector<3x2560xf32> to vector<1x2560xf32>
    %mul3A_42 = vector.broadcast %get3A_7 : vector<256x1xf32> to vector<256x2560xf32>
    %mul3A_43 = vector.broadcast %slice3A_41 : vector<1x2560xf32> to vector<256x2560xf32>
    %mul3A_44 = arith.mulf %mul3A_42, %mul3A_43 : vector<256x2560xf32>
    %add3A = arith.addf %mul3A_40, %mul3A_44 : vector<256x2560xf32>
    %slice3A_45 = vector.extract_strided_slice %get3A_38 {offsets = [2, 0], sizes = [1, 2560], strides = [1, 1]} : vector<3x2560xf32> to vector<1x2560xf32>
    %mul3A_46 = vector.broadcast %get3A_10 : vector<256x1xf32> to vector<256x2560xf32>
    %mul3A_47 = vector.broadcast %slice3A_45 : vector<1x2560xf32> to vector<256x2560xf32>
    %mul3A_48 = arith.mulf %mul3A_46, %mul3A_47 : vector<256x2560xf32>
    %add3A_49 = arith.addf %add3A, %mul3A_48 : vector<256x2560xf32>
    %add3A_50 = vector.broadcast %get3A_1 : vector<256x1xf32> to vector<256x2560xf32>
    %add3A_51 = vector.broadcast %get3A_33 : vector<1x2560xf32> to vector<256x2560xf32>
    %add3A_52 = arith.addf %add3A_50, %add3A_51 : vector<256x2560xf32>
    %mul3A_53 = arith.constant 2.000000e+00 : f32
    %mul3A_54 = vector.broadcast %mul3A_53 : f32 to vector<256x2560xf32>
    %mul3A_55 = arith.mulf %mul3A_54, %add3A_49 : vector<256x2560xf32>
    %sub3A = arith.subf %add3A_52, %mul3A_55 : vector<256x2560xf32>
    %iota3A = tpu.iota {dimensions = array<i32: 1>} : vector<256x2560xi32>
    %mul3A_56 = arith.constant 512 : i32
    %mul3A_57 = arith.muli %get3A_26, %mul3A_56 : i32
    %add3A_58 = vector.broadcast %mul3A_57 : i32 to vector<256x2560xi32>
    %add3A_59 = arith.addi %iota3A, %add3A_58 : vector<256x2560xi32>
    %ge3A = vector.broadcast %get3A_13 : vector<256x1xi32> to vector<256x2560xi32>
    %ge3A_60 = arith.cmpi sge, %add3A_59, %ge3A : vector<256x2560xi32>
    %lt3A = vector.broadcast %get3A_16 : vector<256x1xi32> to vector<256x2560xi32>
    %lt3A_61 = arith.cmpi slt, %add3A_59, %lt3A : vector<256x2560xi32>
    %and3A = arith.andi %ge3A_60, %lt3A_61 : vector<256x2560xi1>
    %jit3A = arith.constant 1.000000e+10 : f32
    %broadcast_in_dim3A_62 = vector.broadcast %jit3A : f32 to vector<256x2560xf32>
    %select_n3A = arith.select %and3A, %sub3A, %broadcast_in_dim3A_62 : vector<256x2560xi1>, vector<256x2560xf32>
    %swap3A_63 = arith.constant 0 : index
    %swap3A_64 = arith.constant 0 : index
    %swap3A_65 = vector.load %arg9[%swap3A_63, %swap3A_64] : memref<256x2560xf32, #tpu.memory_space<vmem>>, vector<256x2560xf32>
    tpu.vector_store %arg9[%swap3A_63, %swap3A_64], %select_n3A {strides = array<i32>} : memref<256x2560xf32, #tpu.memory_space<vmem>>, vector<256x2560xf32>,
    %get3A_66 = arith.constant 0 : index
    %get3A_67 = arith.constant 0 : index
    %get3A_68 = vector.load %arg9[%get3A_66, %get3A_67] : memref<256x2560xf32, #tpu.memory_space<vmem>>, vector<256x2560xf32>
    %reduce_min3A = arith.constant dense<0x7F800000> : vector<256xf32>
    %reduce_min3A_69 = vector.multi_reduction <minimumf>, %get3A_68, %reduce_min3A [1] : vector<256x2560xf32> to vector<256xf32>
    %broadcast_in_dim3A_70 = vector.shape_cast %reduce_min3A_69 : vector<256xf32> to vector<256x1xf32>
    %eq3A = vector.broadcast %broadcast_in_dim3A_70 : vector<256x1xf32> to vector<256x2560xf32>
    %eq3A_71 = arith.cmpf oeq, %get3A_68, %eq3A : vector<256x2560xf32>
    %jit3A_72 = arith.constant 2147483647 : i32
    %broadcast_in_dim3A_73 = vector.broadcast %jit3A_72 : i32 to vector<256x2560xi32>
    %select_n3A_74 = arith.select %eq3A_71, %add3A_59, %broadcast_in_dim3A_73 : vector<256x2560xi1>, vector<256x2560xi32>
    %reduce_min3A_75 = arith.constant dense<2147483647> : vector<256xi32>
    %reduce_min3A_76 = vector.multi_reduction <minsi>, %select_n3A_74, %reduce_min3A_75 [1] : vector<256x2560xi32> to vector<256xi32>
    %broadcast_in_dim3A_77 = vector.shape_cast %reduce_min3A_76 : vector<256xi32> to vector<256x1xi32>
    %jit3A_78 = arith.constant 1.000000e+30 : f32
    %broadcast_in_dim3A_79 = vector.broadcast %jit3A_78 : f32 to vector<256x2560xf32>
    %select_n3A_80 = arith.select %eq3A_71, %broadcast_in_dim3A_79, %get3A_68 : vector<256x2560xi1>, vector<256x2560xf32>
    %swap3A_81 = arith.constant 0 : index
    %swap3A_82 = arith.constant 0 : index
    %swap3A_83 = vector.load %arg9[%swap3A_81, %swap3A_82] : memref<256x2560xf32, #tpu.memory_space<vmem>>, vector<256x2560xf32>
    tpu.vector_store %arg9[%swap3A_81, %swap3A_82], %select_n3A_80 {strides = array<i32>} : memref<256x2560xf32, #tpu.memory_space<vmem>>, vector<256x2560xf32>,
    %get3A_84 = arith.constant 0 : index
    %get3A_85 = arith.constant 0 : index
    %get3A_86 = vector.load %arg9[%get3A_84, %get3A_85] : memref<256x2560xf32, #tpu.memory_space<vmem>>, vector<256x2560xf32>
    %reduce_min3A_87 = arith.constant dense<0x7F800000> : vector<256xf32>
    %reduce_min3A_88 = vector.multi_reduction <minimumf>, %get3A_86, %reduce_min3A_87 [1] : vector<256x2560xf32> to vector<256xf32>
    %broadcast_in_dim3A_89 = vector.shape_cast %reduce_min3A_88 : vector<256xf32> to vector<256x1xf32>
    %eq3A_90 = vector.broadcast %broadcast_in_dim3A_89 : vector<256x1xf32> to vector<256x2560xf32>
    %eq3A_91 = arith.cmpf oeq, %get3A_86, %eq3A_90 : vector<256x2560xf32>
    %jit3A_92 = arith.constant 2147483647 : i32
    %broadcast_in_dim3A_93 = vector.broadcast %jit3A_92 : i32 to vector<256x2560xi32>
    %select_n3A_94 = arith.select %eq3A_91, %add3A_59, %broadcast_in_dim3A_93 : vector<256x2560xi1>, vector<256x2560xi32>
    %reduce_min3A_95 = arith.constant dense<2147483647> : vector<256xi32>
    %reduce_min3A_96 = vector.multi_reduction <minsi>, %select_n3A_94, %reduce_min3A_95 [1] : vector<256x2560xi32> to vector<256xi32>
    %broadcast_in_dim3A_97 = vector.shape_cast %reduce_min3A_96 : vector<256xi32> to vector<256x1xi32>
    %jit3A_98 = arith.constant 1.000000e+30 : f32
    %broadcast_in_dim3A_99 = vector.broadcast %jit3A_98 : f32 to vector<256x2560xf32>
    %select_n3A_100 = arith.select %eq3A_91, %broadcast_in_dim3A_99, %get3A_86 : vector<256x2560xi1>, vector<256x2560xf32>
    %swap3A_101 = arith.constant 0 : index
    %swap3A_102 = arith.constant 0 : index
    %swap3A_103 = vector.load %arg9[%swap3A_101, %swap3A_102] : memref<256x2560xf32, #tpu.memory_space<vmem>>, vector<256x2560xf32>
    tpu.vector_store %arg9[%swap3A_101, %swap3A_102], %select_n3A_100 {strides = array<i32>} : memref<256x2560xf32, #tpu.memory_space<vmem>>, vector<256x2560xf32>,
    %get3A_104 = arith.constant 0 : index
    %get3A_105 = arith.constant 0 : index
    %get3A_106 = vector.load %arg9[%get3A_104, %get3A_105] : memref<256x2560xf32, #tpu.memory_space<vmem>>, vector<256x2560xf32>
    %reduce_min3A_107 = arith.constant dense<0x7F800000> : vector<256xf32>
    %reduce_min3A_108 = vector.multi_reduction <minimumf>, %get3A_106, %reduce_min3A_107 [1] : vector<256x2560xf32> to vector<256xf32>
    %broadcast_in_dim3A_109 = vector.shape_cast %reduce_min3A_108 : vector<256xf32> to vector<256x1xf32>
    %eq3A_110 = vector.broadcast %broadcast_in_dim3A_109 : vector<256x1xf32> to vector<256x2560xf32>
    %eq3A_111 = arith.cmpf oeq, %get3A_106, %eq3A_110 : vector<256x2560xf32>
    %jit3A_112 = arith.constant 2147483647 : i32
    %broadcast_in_dim3A_113 = vector.broadcast %jit3A_112 : i32 to vector<256x2560xi32>
    %select_n3A_114 = arith.select %eq3A_111, %add3A_59, %broadcast_in_dim3A_113 : vector<256x2560xi1>, vector<256x2560xi32>
    %reduce_min3A_115 = arith.constant dense<2147483647> : vector<256xi32>
    %reduce_min3A_116 = vector.multi_reduction <minsi>, %select_n3A_114, %reduce_min3A_115 [1] : vector<256x2560xi32> to vector<256xi32>
    %broadcast_in_dim3A_117 = vector.shape_cast %reduce_min3A_116 : vector<256xi32> to vector<256x1xi32>
    %jit3A_118 = arith.constant 1.000000e+30 : f32
    %broadcast_in_dim3A_119 = vector.broadcast %jit3A_118 : f32 to vector<256x2560xf32>
    %select_n3A_120 = arith.select %eq3A_111, %broadcast_in_dim3A_119, %get3A_106 : vector<256x2560xi1>, vector<256x2560xf32>
    %swap3A_121 = arith.constant 0 : index
    %swap3A_122 = arith.constant 0 : index
    %swap3A_123 = vector.load %arg9[%swap3A_121, %swap3A_122] : memref<256x2560xf32, #tpu.memory_space<vmem>>, vector<256x2560xf32>
    tpu.vector_store %arg9[%swap3A_121, %swap3A_122], %select_n3A_120 {strides = array<i32>} : memref<256x2560xf32, #tpu.memory_space<vmem>>, vector<256x2560xf32>,
    %get3A_124 = arith.constant 0 : index
    %get3A_125 = arith.constant 0 : index
    %get3A_126 = vector.load %arg9[%get3A_124, %get3A_125] : memref<256x2560xf32, #tpu.memory_space<vmem>>, vector<256x2560xf32>
    %reduce_min3A_127 = arith.constant dense<0x7F800000> : vector<256xf32>
    %reduce_min3A_128 = vector.multi_reduction <minimumf>, %get3A_126, %reduce_min3A_127 [1] : vector<256x2560xf32> to vector<256xf32>
    %broadcast_in_dim3A_129 = vector.shape_cast %reduce_min3A_128 : vector<256xf32> to vector<256x1xf32>
    %eq3A_130 = vector.broadcast %broadcast_in_dim3A_129 : vector<256x1xf32> to vector<256x2560xf32>
    %eq3A_131 = arith.cmpf oeq, %get3A_126, %eq3A_130 : vector<256x2560xf32>
    %jit3A_132 = arith.constant 2147483647 : i32
    %broadcast_in_dim3A_133 = vector.broadcast %jit3A_132 : i32 to vector<256x2560xi32>
    %select_n3A_134 = arith.select %eq3A_131, %add3A_59, %broadcast_in_dim3A_133 : vector<256x2560xi1>, vector<256x2560xi32>
    %reduce_min3A_135 = arith.constant dense<2147483647> : vector<256xi32>
    %reduce_min3A_136 = vector.multi_reduction <minsi>, %select_n3A_134, %reduce_min3A_135 [1] : vector<256x2560xi32> to vector<256xi32>
    %broadcast_in_dim3A_137 = vector.shape_cast %reduce_min3A_136 : vector<256xi32> to vector<256x1xi32>
    %jit3A_138 = arith.constant 1.000000e+30 : f32
    %broadcast_in_dim3A_139 = vector.broadcast %jit3A_138 : f32 to vector<256x2560xf32>
    %select_n3A_140 = arith.select %eq3A_131, %broadcast_in_dim3A_139, %get3A_126 : vector<256x2560xi1>, vector<256x2560xf32>
    %swap3A_141 = arith.constant 0 : index
    %swap3A_142 = arith.constant 0 : index
    %swap3A_143 = vector.load %arg9[%swap3A_141, %swap3A_142] : memref<256x2560xf32, #tpu.memory_space<vmem>>, vector<256x2560xf32>
    tpu.vector_store %arg9[%swap3A_141, %swap3A_142], %select_n3A_140 {strides = array<i32>} : memref<256x2560xf32, #tpu.memory_space<vmem>>, vector<256x2560xf32>,
    %get3A_144 = arith.constant 0 : index
    %get3A_145 = arith.constant 0 : index
    %get3A_146 = vector.load %arg9[%get3A_144, %get3A_145] : memref<256x2560xf32, #tpu.memory_space<vmem>>, vector<256x2560xf32>
    %reduce_min3A_147 = arith.constant dense<0x7F800000> : vector<256xf32>
    %reduce_min3A_148 = vector.multi_reduction <minimumf>, %get3A_146, %reduce_min3A_147 [1] : vector<256x2560xf32> to vector<256xf32>
    %broadcast_in_dim3A_149 = vector.shape_cast %reduce_min3A_148 : vector<256xf32> to vector<256x1xf32>
    %eq3A_150 = vector.broadcast %broadcast_in_dim3A_149 : vector<256x1xf32> to vector<256x2560xf32>
    %eq3A_151 = arith.cmpf oeq, %get3A_146, %eq3A_150 : vector<256x2560xf32>
    %jit3A_152 = arith.constant 2147483647 : i32
    %broadcast_in_dim3A_153 = vector.broadcast %jit3A_152 : i32 to vector<256x2560xi32>
    %select_n3A_154 = arith.select %eq3A_151, %add3A_59, %broadcast_in_dim3A_153 : vector<256x2560xi1>, vector<256x2560xi32>
    %reduce_min3A_155 = arith.constant dense<2147483647> : vector<256xi32>
    %reduce_min3A_156 = vector.multi_reduction <minsi>, %select_n3A_154, %reduce_min3A_155 [1] : vector<256x2560xi32> to vector<256xi32>
    %broadcast_in_dim3A_157 = vector.shape_cast %reduce_min3A_156 : vector<256xi32> to vector<256x1xi32>
    %jit3A_158 = arith.constant 1.000000e+30 : f32
    %broadcast_in_dim3A_159 = vector.broadcast %jit3A_158 : f32 to vector<256x2560xf32>
    %select_n3A_160 = arith.select %eq3A_151, %broadcast_in_dim3A_159, %get3A_146 : vector<256x2560xi1>, vector<256x2560xf32>
    %swap3A_161 = arith.constant 0 : index
    %swap3A_162 = arith.constant 0 : index
    %swap3A_163 = vector.load %arg9[%swap3A_161, %swap3A_162] : memref<256x2560xf32, #tpu.memory_space<vmem>>, vector<256x2560xf32>
    tpu.vector_store %arg9[%swap3A_161, %swap3A_162], %select_n3A_160 {strides = array<i32>} : memref<256x2560xf32, #tpu.memory_space<vmem>>, vector<256x2560xf32>,
    %get3A_164 = arith.constant 0 : index
    %get3A_165 = arith.constant 0 : index
    %get3A_166 = vector.load %arg9[%get3A_164, %get3A_165] : memref<256x2560xf32, #tpu.memory_space<vmem>>, vector<256x2560xf32>
    %reduce_min3A_167 = arith.constant dense<0x7F800000> : vector<256xf32>
    %reduce_min3A_168 = vector.multi_reduction <minimumf>, %get3A_166, %reduce_min3A_167 [1] : vector<256x2560xf32> to vector<256xf32>
    %broadcast_in_dim3A_169 = vector.shape_cast %reduce_min3A_168 : vector<256xf32> to vector<256x1xf32>
    %eq3A_170 = vector.broadcast %broadcast_in_dim3A_169 : vector<256x1xf32> to vector<256x2560xf32>
    %eq3A_171 = arith.cmpf oeq, %get3A_166, %eq3A_170 : vector<256x2560xf32>
    %jit3A_172 = arith.constant 2147483647 : i32
    %broadcast_in_dim3A_173 = vector.broadcast %jit3A_172 : i32 to vector<256x2560xi32>
    %select_n3A_174 = arith.select %eq3A_171, %add3A_59, %broadcast_in_dim3A_173 : vector<256x2560xi1>, vector<256x2560xi32>
    %reduce_min3A_175 = arith.constant dense<2147483647> : vector<256xi32>
    %reduce_min3A_176 = vector.multi_reduction <minsi>, %select_n3A_174, %reduce_min3A_175 [1] : vector<256x2560xi32> to vector<256xi32>
    %broadcast_in_dim3A_177 = vector.shape_cast %reduce_min3A_176 : vector<256xi32> to vector<256x1xi32>
    %jit3A_178 = arith.constant 1.000000e+30 : f32
    %broadcast_in_dim3A_179 = vector.broadcast %jit3A_178 : f32 to vector<256x2560xf32>
    %select_n3A_180 = arith.select %eq3A_171, %broadcast_in_dim3A_179, %get3A_166 : vector<256x2560xi1>, vector<256x2560xf32>
    %swap3A_181 = arith.constant 0 : index
    %swap3A_182 = arith.constant 0 : index
    %swap3A_183 = vector.load %arg9[%swap3A_181, %swap3A_182] : memref<256x2560xf32, #tpu.memory_space<vmem>>, vector<256x2560xf32>
    tpu.vector_store %arg9[%swap3A_181, %swap3A_182], %select_n3A_180 {strides = array<i32>} : memref<256x2560xf32, #tpu.memory_space<vmem>>, vector<256x2560xf32>,
    %get3A_184 = arith.constant 0 : index
    %get3A_185 = arith.constant 0 : index
    %get3A_186 = vector.load %arg9[%get3A_184, %get3A_185] : memref<256x2560xf32, #tpu.memory_space<vmem>>, vector<256x2560xf32>
    %reduce_min3A_187 = arith.constant dense<0x7F800000> : vector<256xf32>
    %reduce_min3A_188 = vector.multi_reduction <minimumf>, %get3A_186, %reduce_min3A_187 [1] : vector<256x2560xf32> to vector<256xf32>
    %broadcast_in_dim3A_189 = vector.shape_cast %reduce_min3A_188 : vector<256xf32> to vector<256x1xf32>
    %eq3A_190 = vector.broadcast %broadcast_in_dim3A_189 : vector<256x1xf32> to vector<256x2560xf32>
    %eq3A_191 = arith.cmpf oeq, %get3A_186, %eq3A_190 : vector<256x2560xf32>
    %jit3A_192 = arith.constant 2147483647 : i32
    %broadcast_in_dim3A_193 = vector.broadcast %jit3A_192 : i32 to vector<256x2560xi32>
    %select_n3A_194 = arith.select %eq3A_191, %add3A_59, %broadcast_in_dim3A_193 : vector<256x2560xi1>, vector<256x2560xi32>
    %reduce_min3A_195 = arith.constant dense<2147483647> : vector<256xi32>
    %reduce_min3A_196 = vector.multi_reduction <minsi>, %select_n3A_194, %reduce_min3A_195 [1] : vector<256x2560xi32> to vector<256xi32>
    %broadcast_in_dim3A_197 = vector.shape_cast %reduce_min3A_196 : vector<256xi32> to vector<256x1xi32>
    %jit3A_198 = arith.constant 1.000000e+30 : f32
    %broadcast_in_dim3A_199 = vector.broadcast %jit3A_198 : f32 to vector<256x2560xf32>
    %select_n3A_200 = arith.select %eq3A_191, %broadcast_in_dim3A_199, %get3A_186 : vector<256x2560xi1>, vector<256x2560xf32>
    %swap3A_201 = arith.constant 0 : index
    %swap3A_202 = arith.constant 0 : index
    %swap3A_203 = vector.load %arg9[%swap3A_201, %swap3A_202] : memref<256x2560xf32, #tpu.memory_space<vmem>>, vector<256x2560xf32>
    tpu.vector_store %arg9[%swap3A_201, %swap3A_202], %select_n3A_200 {strides = array<i32>} : memref<256x2560xf32, #tpu.memory_space<vmem>>, vector<256x2560xf32>,
    %get3A_204 = arith.constant 0 : index
    %get3A_205 = arith.constant 0 : index
    %get3A_206 = vector.load %arg9[%get3A_204, %get3A_205] : memref<256x2560xf32, #tpu.memory_space<vmem>>, vector<256x2560xf32>
    %reduce_min3A_207 = arith.constant dense<0x7F800000> : vector<256xf32>
    %reduce_min3A_208 = vector.multi_reduction <minimumf>, %get3A_206, %reduce_min3A_207 [1] : vector<256x2560xf32> to vector<256xf32>
    %broadcast_in_dim3A_209 = vector.shape_cast %reduce_min3A_208 : vector<256xf32> to vector<256x1xf32>
    %eq3A_210 = vector.broadcast %broadcast_in_dim3A_209 : vector<256x1xf32> to vector<256x2560xf32>
    %eq3A_211 = arith.cmpf oeq, %get3A_206, %eq3A_210 : vector<256x2560xf32>
    %jit3A_212 = arith.constant 2147483647 : i32
    %broadcast_in_dim3A_213 = vector.broadcast %jit3A_212 : i32 to vector<256x2560xi32>
    %select_n3A_214 = arith.select %eq3A_211, %add3A_59, %broadcast_in_dim3A_213 : vector<256x2560xi1>, vector<256x2560xi32>
    %reduce_min3A_215 = arith.constant dense<2147483647> : vector<256xi32>
    %reduce_min3A_216 = vector.multi_reduction <minsi>, %select_n3A_214, %reduce_min3A_215 [1] : vector<256x2560xi32> to vector<256xi32>
    %broadcast_in_dim3A_217 = vector.shape_cast %reduce_min3A_216 : vector<256xi32> to vector<256x1xi32>
    %jit3A_218 = arith.constant 1.000000e+30 : f32
    %broadcast_in_dim3A_219 = vector.broadcast %jit3A_218 : f32 to vector<256x2560xf32>
    %select_n3A_220 = arith.select %eq3A_211, %broadcast_in_dim3A_219, %get3A_206 : vector<256x2560xi1>, vector<256x2560xf32>
    %swap3A_221 = arith.constant 0 : index
    %swap3A_222 = arith.constant 0 : index
    %swap3A_223 = vector.load %arg9[%swap3A_221, %swap3A_222] : memref<256x2560xf32, #tpu.memory_space<vmem>>, vector<256x2560xf32>
    tpu.vector_store %arg9[%swap3A_221, %swap3A_222], %select_n3A_220 {strides = array<i32>} : memref<256x2560xf32, #tpu.memory_space<vmem>>, vector<256x2560xf32>,
    %concatenate3A = tpu.concatenate %broadcast_in_dim3A_70, %broadcast_in_dim3A_89, %broadcast_in_dim3A_109, %broadcast_in_dim3A_129, %broadcast_in_dim3A_149, %broadcast_in_dim3A_169, %broadcast_in_dim3A_189, %broadcast_in_dim3A_209 in 1 : vector<256x1xf32>, vector<256x1xf32>, vector<256x1xf32>, vector<256x1xf32>, vector<256x1xf32>, vector<256x1xf32>, vector<256x1xf32>, vector<256x1xf32> -> vector<256x8xf32>
    %swap3A_224 = arith.constant 0 : index
    %swap3A_225 = arith.constant 0 : index
    %swap3A_226 = vector.load %arg10[%swap3A_224, %swap3A_225] : memref<256x8xf32, #tpu.memory_space<vmem>>, vector<256x8xf32>
    tpu.vector_store %arg10[%swap3A_224, %swap3A_225], %concatenate3A {strides = array<i32>} : memref<256x8xf32, #tpu.memory_space<vmem>>, vector<256x8xf32>,
    %concatenate3A_227 = tpu.concatenate %broadcast_in_dim3A_77, %broadcast_in_dim3A_97, %broadcast_in_dim3A_117, %broadcast_in_dim3A_137, %broadcast_in_dim3A_157, %broadcast_in_dim3A_177, %broadcast_in_dim3A_197, %broadcast_in_dim3A_217 in 1 : vector<256x1xi32>, vector<256x1xi32>, vector<256x1xi32>, vector<256x1xi32>, vector<256x1xi32>, vector<256x1xi32>, vector<256x1xi32>, vector<256x1xi32> -> vector<256x8xi32>
    %swap3A_228 = arith.constant 0 : index
    %swap3A_229 = arith.constant 0 : index
    %swap3A_230 = vector.load %arg8[%swap3A_228, %swap3A_229] : memref<256x8xi32, #tpu.memory_space<vmem>>, vector<256x8xi32>
    tpu.vector_store %arg8[%swap3A_228, %swap3A_229], %concatenate3A_227 {strides = array<i32>} : memref<256x8xi32, #tpu.memory_space<vmem>>, vector<256x8xi32>,
    %while3A = arith.constant 0 : i32
    %while3A_231 = arith.constant 1 : i32
    %while3A_232 = arith.subi %get3A_28, %while3A_231 : i32
    %while3A_233 = arith.addi %while3A_231, %while3A_232 : i32
    %while3A_234 = arith.constant 1 : i32
    %while3A_235 = arith.divsi %while3A_232, %while3A_234 : i32
    %while3A_236 = arith.muli %while3A_235, %while3A_234 : i32
    %while3A_237 = arith.addi %while3A_231, %while3A_236 : i32
    %while3A_238 = arith.constant 1 : i32
    scf.for %while3A_240 = %while3A_231 to %while3A_237 step %while3A_238  : i32 {
      %mul3A_241 = arith.constant 5 : i32
      %mul3A_242 = arith.muli %mul3A_241, %while3A_240 : i32
      %add3A_243 = arith.addi %get3A_26, %mul3A_242 : i32
      %min3A = arith.constant 27 : i32
      %min3A_244 = arith.minsi %add3A_243, %min3A : i32
      %mul3A_245 = arith.constant 512 : i32
      %mul3A_246 = arith.muli %get3A_26, %mul3A_245 : i32
      %mul3A_247 = arith.constant 2560 : i32
      %mul3A_248 = arith.muli %while3A_240, %mul3A_247 : i32
      %add3A_249 = arith.addi %mul3A_246, %mul3A_248 : i32
      %get3A_250 = arith.index_cast %min3A_244 : i32 to index
      %get3A_251 = arith.constant 0 : index
      %get3A_252 = arith.constant 0 : index
      %get3A_253 = vector.load %arg3[%get3A_250, %get3A_251, %get3A_252] : memref<28x1x2560xf32, #tpu.memory_space<vmem>>, vector<1x1x2560xf32>
      %get3A_254 = vector.shape_cast %get3A_253 : vector<1x1x2560xf32> to vector<1x2560xf32>
      %get3A_255 = arith.index_cast %min3A_244 : i32 to index
      %get3A_256 = arith.constant 0 : index
      %get3A_257 = arith.constant 0 : index
      %get3A_258 = vector.load %arg4[%get3A_255, %get3A_256, %get3A_257] : memref<28x3x2560xf32, #tpu.memory_space<vmem>>, vector<1x3x2560xf32>
      %get3A_259 = vector.shape_cast %get3A_258 : vector<1x3x2560xf32> to vector<3x2560xf32>
      %slice3A_260 = vector.extract_strided_slice %get3A_259 {offsets = [0, 0], sizes = [1, 2560], strides = [1, 1]} : vector<3x2560xf32> to vector<1x2560xf32>
      %mul3A_261 = vector.broadcast %get3A_4 : vector<256x1xf32> to vector<256x2560xf32>
      %mul3A_262 = vector.broadcast %slice3A_260 : vector<1x2560xf32> to vector<256x2560xf32>
      %mul3A_263 = arith.mulf %mul3A_261, %mul3A_262 : vector<256x2560xf32>
      %slice3A_264 = vector.extract_strided_slice %get3A_259 {offsets = [1, 0], sizes = [1, 2560], strides = [1, 1]} : vector<3x2560xf32> to vector<1x2560xf32>
      %mul3A_265 = vector.broadcast %get3A_7 : vector<256x1xf32> to vector<256x2560xf32>
      %mul3A_266 = vector.broadcast %slice3A_264 : vector<1x2560xf32> to vector<256x2560xf32>
      %mul3A_267 = arith.mulf %mul3A_265, %mul3A_266 : vector<256x2560xf32>
      %add3A_268 = arith.addf %mul3A_263, %mul3A_267 : vector<256x2560xf32>
      %slice3A_269 = vector.extract_strided_slice %get3A_259 {offsets = [2, 0], sizes = [1, 2560], strides = [1, 1]} : vector<3x2560xf32> to vector<1x2560xf32>
      %mul3A_270 = vector.broadcast %get3A_10 : vector<256x1xf32> to vector<256x2560xf32>
      %mul3A_271 = vector.broadcast %slice3A_269 : vector<1x2560xf32> to vector<256x2560xf32>
      %mul3A_272 = arith.mulf %mul3A_270, %mul3A_271 : vector<256x2560xf32>
      %add3A_273 = arith.addf %add3A_268, %mul3A_272 : vector<256x2560xf32>
      %add3A_274 = vector.broadcast %get3A_1 : vector<256x1xf32> to vector<256x2560xf32>
      %add3A_275 = vector.broadcast %get3A_254 : vector<1x2560xf32> to vector<256x2560xf32>
      %add3A_276 = arith.addf %add3A_274, %add3A_275 : vector<256x2560xf32>
      %mul3A_277 = arith.constant 2.000000e+00 : f32
      %mul3A_278 = vector.broadcast %mul3A_277 : f32 to vector<256x2560xf32>
      %mul3A_279 = arith.mulf %mul3A_278, %add3A_273 : vector<256x2560xf32>
      %sub3A_280 = arith.subf %add3A_276, %mul3A_279 : vector<256x2560xf32>
      %iota3A_281 = tpu.iota {dimensions = array<i32: 1>} : vector<256x2560xi32>
      %mul3A_282 = arith.constant 512 : i32
      %mul3A_283 = arith.muli %min3A_244, %mul3A_282 : i32
      %add3A_284 = vector.broadcast %mul3A_283 : i32 to vector<256x2560xi32>
      %add3A_285 = arith.addi %iota3A_281, %add3A_284 : vector<256x2560xi32>
      %ge3A_286 = vector.broadcast %get3A_13 : vector<256x1xi32> to vector<256x2560xi32>
      %ge3A_287 = arith.cmpi sge, %add3A_285, %ge3A_286 : vector<256x2560xi32>
      %lt3A_288 = vector.broadcast %get3A_16 : vector<256x1xi32> to vector<256x2560xi32>
      %lt3A_289 = arith.cmpi slt, %add3A_285, %lt3A_288 : vector<256x2560xi32>
      %and3A_290 = arith.andi %ge3A_287, %lt3A_289 : vector<256x2560xi1>
      %ge3A_291 = vector.broadcast %add3A_249 : i32 to vector<256x2560xi32>
      %ge3A_292 = arith.cmpi sge, %add3A_285, %ge3A_291 : vector<256x2560xi32>
      %and3A_293 = arith.andi %and3A_290, %ge3A_292 : vector<256x2560xi1>
      %jit3A_294 = arith.constant 1.000000e+10 : f32
      %broadcast_in_dim3A_295 = vector.broadcast %jit3A_294 : f32 to vector<256x2560xf32>
      %select_n3A_296 = arith.select %and3A_293, %sub3A_280, %broadcast_in_dim3A_295 : vector<256x2560xi1>, vector<256x2560xf32>
      %swap3A_297 = arith.constant 0 : index
      %swap3A_298 = arith.constant 0 : index
      %swap3A_299 = vector.load %arg9[%swap3A_297, %swap3A_298] : memref<256x2560xf32, #tpu.memory_space<vmem>>, vector<256x2560xf32>
      tpu.vector_store %arg9[%swap3A_297, %swap3A_298], %select_n3A_296 {strides = array<i32>} : memref<256x2560xf32, #tpu.memory_space<vmem>>, vector<256x2560xf32>,
      %get3A_300 = arith.constant 0 : index
      %get3A_301 = arith.constant 0 : index
      %get3A_302 = vector.load %arg9[%get3A_300, %get3A_301] : memref<256x2560xf32, #tpu.memory_space<vmem>>, vector<256x2560xf32>
      %reduce_min3A_303 = arith.constant dense<0x7F800000> : vector<256xf32>
      %reduce_min3A_304 = vector.multi_reduction <minimumf>, %get3A_302, %reduce_min3A_303 [1] : vector<256x2560xf32> to vector<256xf32>
      %broadcast_in_dim3A_305 = vector.shape_cast %reduce_min3A_304 : vector<256xf32> to vector<256x1xf32>
      %eq3A_306 = vector.broadcast %broadcast_in_dim3A_305 : vector<256x1xf32> to vector<256x2560xf32>
      %eq3A_307 = arith.cmpf oeq, %get3A_302, %eq3A_306 : vector<256x2560xf32>
      %jit3A_308 = arith.constant 2147483647 : i32
      %broadcast_in_dim3A_309 = vector.broadcast %jit3A_308 : i32 to vector<256x2560xi32>
      %select_n3A_310 = arith.select %eq3A_307, %add3A_285, %broadcast_in_dim3A_309 : vector<256x2560xi1>, vector<256x2560xi32>
      %reduce_min3A_311 = arith.constant dense<2147483647> : vector<256xi32>
      %reduce_min3A_312 = vector.multi_reduction <minsi>, %select_n3A_310, %reduce_min3A_311 [1] : vector<256x2560xi32> to vector<256xi32>
      %broadcast_in_dim3A_313 = vector.shape_cast %reduce_min3A_312 : vector<256xi32> to vector<256x1xi32>
      %jit3A_314 = arith.constant 1.000000e+30 : f32
      %broadcast_in_dim3A_315 = vector.broadcast %jit3A_314 : f32 to vector<256x2560xf32>
      %select_n3A_316 = arith.select %eq3A_307, %broadcast_in_dim3A_315, %get3A_302 : vector<256x2560xi1>, vector<256x2560xf32>
      %swap3A_317 = arith.constant 0 : index
      %swap3A_318 = arith.constant 0 : index
      %swap3A_319 = vector.load %arg9[%swap3A_317, %swap3A_318] : memref<256x2560xf32, #tpu.memory_space<vmem>>, vector<256x2560xf32>
      tpu.vector_store %arg9[%swap3A_317, %swap3A_318], %select_n3A_316 {strides = array<i32>} : memref<256x2560xf32, #tpu.memory_space<vmem>>, vector<256x2560xf32>,
      %get3A_320 = arith.constant 0 : index
      %get3A_321 = arith.constant 0 : index
      %get3A_322 = vector.load %arg9[%get3A_320, %get3A_321] : memref<256x2560xf32, #tpu.memory_space<vmem>>, vector<256x2560xf32>
      %reduce_min3A_323 = arith.constant dense<0x7F800000> : vector<256xf32>
      %reduce_min3A_324 = vector.multi_reduction <minimumf>, %get3A_322, %reduce_min3A_323 [1] : vector<256x2560xf32> to vector<256xf32>
      %broadcast_in_dim3A_325 = vector.shape_cast %reduce_min3A_324 : vector<256xf32> to vector<256x1xf32>
      %eq3A_326 = vector.broadcast %broadcast_in_dim3A_325 : vector<256x1xf32> to vector<256x2560xf32>
      %eq3A_327 = arith.cmpf oeq, %get3A_322, %eq3A_326 : vector<256x2560xf32>
      %jit3A_328 = arith.constant 2147483647 : i32
      %broadcast_in_dim3A_329 = vector.broadcast %jit3A_328 : i32 to vector<256x2560xi32>
      %select_n3A_330 = arith.select %eq3A_327, %add3A_285, %broadcast_in_dim3A_329 : vector<256x2560xi1>, vector<256x2560xi32>
      %reduce_min3A_331 = arith.constant dense<2147483647> : vector<256xi32>
      %reduce_min3A_332 = vector.multi_reduction <minsi>, %select_n3A_330, %reduce_min3A_331 [1] : vector<256x2560xi32> to vector<256xi32>
      %broadcast_in_dim3A_333 = vector.shape_cast %reduce_min3A_332 : vector<256xi32> to vector<256x1xi32>
      %jit3A_334 = arith.constant 1.000000e+30 : f32
      %broadcast_in_dim3A_335 = vector.broadcast %jit3A_334 : f32 to vector<256x2560xf32>
      %select_n3A_336 = arith.select %eq3A_327, %broadcast_in_dim3A_335, %get3A_322 : vector<256x2560xi1>, vector<256x2560xf32>
      %swap3A_337 = arith.constant 0 : index
      %swap3A_338 = arith.constant 0 : index
      %swap3A_339 = vector.load %arg9[%swap3A_337, %swap3A_338] : memref<256x2560xf32, #tpu.memory_space<vmem>>, vector<256x2560xf32>
      tpu.vector_store %arg9[%swap3A_337, %swap3A_338], %select_n3A_336 {strides = array<i32>} : memref<256x2560xf32, #tpu.memory_space<vmem>>, vector<256x2560xf32>,
      %get3A_340 = arith.constant 0 : index
      %get3A_341 = arith.constant 0 : index
      %get3A_342 = vector.load %arg9[%get3A_340, %get3A_341] : memref<256x2560xf32, #tpu.memory_space<vmem>>, vector<256x2560xf32>
      %reduce_min3A_343 = arith.constant dense<0x7F800000> : vector<256xf32>
      %reduce_min3A_344 = vector.multi_reduction <minimumf>, %get3A_342, %reduce_min3A_343 [1] : vector<256x2560xf32> to vector<256xf32>
      %broadcast_in_dim3A_345 = vector.shape_cast %reduce_min3A_344 : vector<256xf32> to vector<256x1xf32>
      %eq3A_346 = vector.broadcast %broadcast_in_dim3A_345 : vector<256x1xf32> to vector<256x2560xf32>
      %eq3A_347 = arith.cmpf oeq, %get3A_342, %eq3A_346 : vector<256x2560xf32>
      %jit3A_348 = arith.constant 2147483647 : i32
      %broadcast_in_dim3A_349 = vector.broadcast %jit3A_348 : i32 to vector<256x2560xi32>
      %select_n3A_350 = arith.select %eq3A_347, %add3A_285, %broadcast_in_dim3A_349 : vector<256x2560xi1>, vector<256x2560xi32>
      %reduce_min3A_351 = arith.constant dense<2147483647> : vector<256xi32>
      %reduce_min3A_352 = vector.multi_reduction <minsi>, %select_n3A_350, %reduce_min3A_351 [1] : vector<256x2560xi32> to vector<256xi32>
      %broadcast_in_dim3A_353 = vector.shape_cast %reduce_min3A_352 : vector<256xi32> to vector<256x1xi32>
      %jit3A_354 = arith.constant 1.000000e+30 : f32
      %broadcast_in_dim3A_355 = vector.broadcast %jit3A_354 : f32 to vector<256x2560xf32>
      %select_n3A_356 = arith.select %eq3A_347, %broadcast_in_dim3A_355, %get3A_342 : vector<256x2560xi1>, vector<256x2560xf32>
      %swap3A_357 = arith.constant 0 : index
      %swap3A_358 = arith.constant 0 : index
      %swap3A_359 = vector.load %arg9[%swap3A_357, %swap3A_358] : memref<256x2560xf32, #tpu.memory_space<vmem>>, vector<256x2560xf32>
      tpu.vector_store %arg9[%swap3A_357, %swap3A_358], %select_n3A_356 {strides = array<i32>} : memref<256x2560xf32, #tpu.memory_space<vmem>>, vector<256x2560xf32>,
      %get3A_360 = arith.constant 0 : index
      %get3A_361 = arith.constant 0 : index
      %get3A_362 = vector.load %arg9[%get3A_360, %get3A_361] : memref<256x2560xf32, #tpu.memory_space<vmem>>, vector<256x2560xf32>
      %reduce_min3A_363 = arith.constant dense<0x7F800000> : vector<256xf32>
      %reduce_min3A_364 = vector.multi_reduction <minimumf>, %get3A_362, %reduce_min3A_363 [1] : vector<256x2560xf32> to vector<256xf32>
      %broadcast_in_dim3A_365 = vector.shape_cast %reduce_min3A_364 : vector<256xf32> to vector<256x1xf32>
      %eq3A_366 = vector.broadcast %broadcast_in_dim3A_365 : vector<256x1xf32> to vector<256x2560xf32>
      %eq3A_367 = arith.cmpf oeq, %get3A_362, %eq3A_366 : vector<256x2560xf32>
      %jit3A_368 = arith.constant 2147483647 : i32
      %broadcast_in_dim3A_369 = vector.broadcast %jit3A_368 : i32 to vector<256x2560xi32>
      %select_n3A_370 = arith.select %eq3A_367, %add3A_285, %broadcast_in_dim3A_369 : vector<256x2560xi1>, vector<256x2560xi32>
      %reduce_min3A_371 = arith.constant dense<2147483647> : vector<256xi32>
      %reduce_min3A_372 = vector.multi_reduction <minsi>, %select_n3A_370, %reduce_min3A_371 [1] : vector<256x2560xi32> to vector<256xi32>
      %broadcast_in_dim3A_373 = vector.shape_cast %reduce_min3A_372 : vector<256xi32> to vector<256x1xi32>
      %jit3A_374 = arith.constant 1.000000e+30 : f32
      %broadcast_in_dim3A_375 = vector.broadcast %jit3A_374 : f32 to vector<256x2560xf32>
      %select_n3A_376 = arith.select %eq3A_367, %broadcast_in_dim3A_375, %get3A_362 : vector<256x2560xi1>, vector<256x2560xf32>
      %swap3A_377 = arith.constant 0 : index
      %swap3A_378 = arith.constant 0 : index
      %swap3A_379 = vector.load %arg9[%swap3A_377, %swap3A_378] : memref<256x2560xf32, #tpu.memory_space<vmem>>, vector<256x2560xf32>
      tpu.vector_store %arg9[%swap3A_377, %swap3A_378], %select_n3A_376 {strides = array<i32>} : memref<256x2560xf32, #tpu.memory_space<vmem>>, vector<256x2560xf32>,
      %get3A_380 = arith.constant 0 : index
      %get3A_381 = arith.constant 0 : index
      %get3A_382 = vector.load %arg9[%get3A_380, %get3A_381] : memref<256x2560xf32, #tpu.memory_space<vmem>>, vector<256x2560xf32>
      %reduce_min3A_383 = arith.constant dense<0x7F800000> : vector<256xf32>
      %reduce_min3A_384 = vector.multi_reduction <minimumf>, %get3A_382, %reduce_min3A_383 [1] : vector<256x2560xf32> to vector<256xf32>
      %broadcast_in_dim3A_385 = vector.shape_cast %reduce_min3A_384 : vector<256xf32> to vector<256x1xf32>
      %eq3A_386 = vector.broadcast %broadcast_in_dim3A_385 : vector<256x1xf32> to vector<256x2560xf32>
      %eq3A_387 = arith.cmpf oeq, %get3A_382, %eq3A_386 : vector<256x2560xf32>
      %jit3A_388 = arith.constant 2147483647 : i32
      %broadcast_in_dim3A_389 = vector.broadcast %jit3A_388 : i32 to vector<256x2560xi32>
      %select_n3A_390 = arith.select %eq3A_387, %add3A_285, %broadcast_in_dim3A_389 : vector<256x2560xi1>, vector<256x2560xi32>
      %reduce_min3A_391 = arith.constant dense<2147483647> : vector<256xi32>
      %reduce_min3A_392 = vector.multi_reduction <minsi>, %select_n3A_390, %reduce_min3A_391 [1] : vector<256x2560xi32> to vector<256xi32>
      %broadcast_in_dim3A_393 = vector.shape_cast %reduce_min3A_392 : vector<256xi32> to vector<256x1xi32>
      %jit3A_394 = arith.constant 1.000000e+30 : f32
      %broadcast_in_dim3A_395 = vector.broadcast %jit3A_394 : f32 to vector<256x2560xf32>
      %select_n3A_396 = arith.select %eq3A_387, %broadcast_in_dim3A_395, %get3A_382 : vector<256x2560xi1>, vector<256x2560xf32>
      %swap3A_397 = arith.constant 0 : index
      %swap3A_398 = arith.constant 0 : index
      %swap3A_399 = vector.load %arg9[%swap3A_397, %swap3A_398] : memref<256x2560xf32, #tpu.memory_space<vmem>>, vector<256x2560xf32>
      tpu.vector_store %arg9[%swap3A_397, %swap3A_398], %select_n3A_396 {strides = array<i32>} : memref<256x2560xf32, #tpu.memory_space<vmem>>, vector<256x2560xf32>,
      %get3A_400 = arith.constant 0 : index
      %get3A_401 = arith.constant 0 : index
      %get3A_402 = vector.load %arg9[%get3A_400, %get3A_401] : memref<256x2560xf32, #tpu.memory_space<vmem>>, vector<256x2560xf32>
      %reduce_min3A_403 = arith.constant dense<0x7F800000> : vector<256xf32>
      %reduce_min3A_404 = vector.multi_reduction <minimumf>, %get3A_402, %reduce_min3A_403 [1] : vector<256x2560xf32> to vector<256xf32>
      %broadcast_in_dim3A_405 = vector.shape_cast %reduce_min3A_404 : vector<256xf32> to vector<256x1xf32>
      %eq3A_406 = vector.broadcast %broadcast_in_dim3A_405 : vector<256x1xf32> to vector<256x2560xf32>
      %eq3A_407 = arith.cmpf oeq, %get3A_402, %eq3A_406 : vector<256x2560xf32>
      %jit3A_408 = arith.constant 2147483647 : i32
      %broadcast_in_dim3A_409 = vector.broadcast %jit3A_408 : i32 to vector<256x2560xi32>
      %select_n3A_410 = arith.select %eq3A_407, %add3A_285, %broadcast_in_dim3A_409 : vector<256x2560xi1>, vector<256x2560xi32>
      %reduce_min3A_411 = arith.constant dense<2147483647> : vector<256xi32>
      %reduce_min3A_412 = vector.multi_reduction <minsi>, %select_n3A_410, %reduce_min3A_411 [1] : vector<256x2560xi32> to vector<256xi32>
      %broadcast_in_dim3A_413 = vector.shape_cast %reduce_min3A_412 : vector<256xi32> to vector<256x1xi32>
      %jit3A_414 = arith.constant 1.000000e+30 : f32
      %broadcast_in_dim3A_415 = vector.broadcast %jit3A_414 : f32 to vector<256x2560xf32>
      %select_n3A_416 = arith.select %eq3A_407, %broadcast_in_dim3A_415, %get3A_402 : vector<256x2560xi1>, vector<256x2560xf32>
      %swap3A_417 = arith.constant 0 : index
      %swap3A_418 = arith.constant 0 : index
      %swap3A_419 = vector.load %arg9[%swap3A_417, %swap3A_418] : memref<256x2560xf32, #tpu.memory_space<vmem>>, vector<256x2560xf32>
      tpu.vector_store %arg9[%swap3A_417, %swap3A_418], %select_n3A_416 {strides = array<i32>} : memref<256x2560xf32, #tpu.memory_space<vmem>>, vector<256x2560xf32>,
      %get3A_420 = arith.constant 0 : index
      %get3A_421 = arith.constant 0 : index
      %get3A_422 = vector.load %arg9[%get3A_420, %get3A_421] : memref<256x2560xf32, #tpu.memory_space<vmem>>, vector<256x2560xf32>
      %reduce_min3A_423 = arith.constant dense<0x7F800000> : vector<256xf32>
      %reduce_min3A_424 = vector.multi_reduction <minimumf>, %get3A_422, %reduce_min3A_423 [1] : vector<256x2560xf32> to vector<256xf32>
      %broadcast_in_dim3A_425 = vector.shape_cast %reduce_min3A_424 : vector<256xf32> to vector<256x1xf32>
      %eq3A_426 = vector.broadcast %broadcast_in_dim3A_425 : vector<256x1xf32> to vector<256x2560xf32>
      %eq3A_427 = arith.cmpf oeq, %get3A_422, %eq3A_426 : vector<256x2560xf32>
      %jit3A_428 = arith.constant 2147483647 : i32
      %broadcast_in_dim3A_429 = vector.broadcast %jit3A_428 : i32 to vector<256x2560xi32>
      %select_n3A_430 = arith.select %eq3A_427, %add3A_285, %broadcast_in_dim3A_429 : vector<256x2560xi1>, vector<256x2560xi32>
      %reduce_min3A_431 = arith.constant dense<2147483647> : vector<256xi32>
      %reduce_min3A_432 = vector.multi_reduction <minsi>, %select_n3A_430, %reduce_min3A_431 [1] : vector<256x2560xi32> to vector<256xi32>
      %broadcast_in_dim3A_433 = vector.shape_cast %reduce_min3A_432 : vector<256xi32> to vector<256x1xi32>
      %jit3A_434 = arith.constant 1.000000e+30 : f32
      %broadcast_in_dim3A_435 = vector.broadcast %jit3A_434 : f32 to vector<256x2560xf32>
      %select_n3A_436 = arith.select %eq3A_427, %broadcast_in_dim3A_435, %get3A_422 : vector<256x2560xi1>, vector<256x2560xf32>
      %swap3A_437 = arith.constant 0 : index
      %swap3A_438 = arith.constant 0 : index
      %swap3A_439 = vector.load %arg9[%swap3A_437, %swap3A_438] : memref<256x2560xf32, #tpu.memory_space<vmem>>, vector<256x2560xf32>
      tpu.vector_store %arg9[%swap3A_437, %swap3A_438], %select_n3A_436 {strides = array<i32>} : memref<256x2560xf32, #tpu.memory_space<vmem>>, vector<256x2560xf32>,
      %get3A_440 = arith.constant 0 : index
      %get3A_441 = arith.constant 0 : index
      %get3A_442 = vector.load %arg9[%get3A_440, %get3A_441] : memref<256x2560xf32, #tpu.memory_space<vmem>>, vector<256x2560xf32>
      %reduce_min3A_443 = arith.constant dense<0x7F800000> : vector<256xf32>
      %reduce_min3A_444 = vector.multi_reduction <minimumf>, %get3A_442, %reduce_min3A_443 [1] : vector<256x2560xf32> to vector<256xf32>
      %broadcast_in_dim3A_445 = vector.shape_cast %reduce_min3A_444 : vector<256xf32> to vector<256x1xf32>
      %eq3A_446 = vector.broadcast %broadcast_in_dim3A_445 : vector<256x1xf32> to vector<256x2560xf32>
      %eq3A_447 = arith.cmpf oeq, %get3A_442, %eq3A_446 : vector<256x2560xf32>
      %jit3A_448 = arith.constant 2147483647 : i32
      %broadcast_in_dim3A_449 = vector.broadcast %jit3A_448 : i32 to vector<256x2560xi32>
      %select_n3A_450 = arith.select %eq3A_447, %add3A_285, %broadcast_in_dim3A_449 : vector<256x2560xi1>, vector<256x2560xi32>
      %reduce_min3A_451 = arith.constant dense<2147483647> : vector<256xi32>
      %reduce_min3A_452 = vector.multi_reduction <minsi>, %select_n3A_450, %reduce_min3A_451 [1] : vector<256x2560xi32> to vector<256xi32>
      %broadcast_in_dim3A_453 = vector.shape_cast %reduce_min3A_452 : vector<256xi32> to vector<256x1xi32>
      %jit3A_454 = arith.constant 1.000000e+30 : f32
      %broadcast_in_dim3A_455 = vector.broadcast %jit3A_454 : f32 to vector<256x2560xf32>
      %select_n3A_456 = arith.select %eq3A_447, %broadcast_in_dim3A_455, %get3A_442 : vector<256x2560xi1>, vector<256x2560xf32>
      %swap3A_457 = arith.constant 0 : index
      %swap3A_458 = arith.constant 0 : index
      %swap3A_459 = vector.load %arg9[%swap3A_457, %swap3A_458] : memref<256x2560xf32, #tpu.memory_space<vmem>>, vector<256x2560xf32>
      tpu.vector_store %arg9[%swap3A_457, %swap3A_458], %select_n3A_456 {strides = array<i32>} : memref<256x2560xf32, #tpu.memory_space<vmem>>, vector<256x2560xf32>,
      %get3A_460 = arith.constant 0 : index
      %get3A_461 = arith.constant 0 : index
      %get3A_462 = vector.load %arg10[%get3A_460, %get3A_461] : memref<256x8xf32, #tpu.memory_space<vmem>>, vector<256x8xf32>
      %concatenate3A_463 = tpu.concatenate %get3A_462, %broadcast_in_dim3A_305, %broadcast_in_dim3A_325, %broadcast_in_dim3A_345, %broadcast_in_dim3A_365, %broadcast_in_dim3A_385, %broadcast_in_dim3A_405, %broadcast_in_dim3A_425, %broadcast_in_dim3A_445 in 1 : vector<256x8xf32>, vector<256x1xf32>, vector<256x1xf32>, vector<256x1xf32>, vector<256x1xf32>, vector<256x1xf32>, vector<256x1xf32>, vector<256x1xf32>, vector<256x1xf32> -> vector<256x16xf32>
      %get3A_464 = arith.constant 0 : index
      %get3A_465 = arith.constant 0 : index
      %get3A_466 = vector.load %arg8[%get3A_464, %get3A_465] : memref<256x8xi32, #tpu.memory_space<vmem>>, vector<256x8xi32>
      %concatenate3A_467 = tpu.concatenate %get3A_466, %broadcast_in_dim3A_313, %broadcast_in_dim3A_333, %broadcast_in_dim3A_353, %broadcast_in_dim3A_373, %broadcast_in_dim3A_393, %broadcast_in_dim3A_413, %broadcast_in_dim3A_433, %broadcast_in_dim3A_453 in 1 : vector<256x8xi32>, vector<256x1xi32>, vector<256x1xi32>, vector<256x1xi32>, vector<256x1xi32>, vector<256x1xi32>, vector<256x1xi32>, vector<256x1xi32>, vector<256x1xi32> -> vector<256x16xi32>
      %iota3A_468 = tpu.iota {dimensions = array<i32: 1>} : vector<256x16xi32>
      %reduce_min3A_469 = arith.constant dense<0x7F800000> : vector<256xf32>
      %reduce_min3A_470 = vector.multi_reduction <minimumf>, %concatenate3A_463, %reduce_min3A_469 [1] : vector<256x16xf32> to vector<256xf32>
      %broadcast_in_dim3A_471 = vector.shape_cast %reduce_min3A_470 : vector<256xf32> to vector<256x1xf32>
      %eq3A_472 = vector.broadcast %broadcast_in_dim3A_471 : vector<256x1xf32> to vector<256x16xf32>
      %eq3A_473 = arith.cmpf oeq, %concatenate3A_463, %eq3A_472 : vector<256x16xf32>
      %jit3A_474 = arith.constant 16 : i32
      %broadcast_in_dim3A_475 = vector.broadcast %jit3A_474 : i32 to vector<256x16xi32>
      %select_n3A_476 = arith.select %eq3A_473, %iota3A_468, %broadcast_in_dim3A_475 : vector<256x16xi1>, vector<256x16xi32>
      %reduce_min3A_477 = arith.constant dense<2147483647> : vector<256xi32>
      %reduce_min3A_478 = vector.multi_reduction <minsi>, %select_n3A_476, %reduce_min3A_477 [1] : vector<256x16xi32> to vector<256xi32>
      %broadcast_in_dim3A_479 = vector.shape_cast %reduce_min3A_478 : vector<256xi32> to vector<256x1xi32>
      %eq3A_480 = vector.broadcast %broadcast_in_dim3A_479 : vector<256x1xi32> to vector<256x16xi32>
      %eq3A_481 = arith.cmpi eq, %iota3A_468, %eq3A_480 : vector<256x16xi32>
      %jit3A_482 = arith.constant 2147483647 : i32
      %broadcast_in_dim3A_483 = vector.broadcast %jit3A_482 : i32 to vector<256x16xi32>
      %select_n3A_484 = arith.select %eq3A_481, %concatenate3A_467, %broadcast_in_dim3A_483 : vector<256x16xi1>, vector<256x16xi32>
      %reduce_min3A_485 = arith.constant dense<2147483647> : vector<256xi32>
      %reduce_min3A_486 = vector.multi_reduction <minsi>, %select_n3A_484, %reduce_min3A_485 [1] : vector<256x16xi32> to vector<256xi32>
      %broadcast_in_dim3A_487 = vector.shape_cast %reduce_min3A_486 : vector<256xi32> to vector<256x1xi32>
      %jit3A_488 = arith.constant 9.99999968E+37 : f32
      %broadcast_in_dim3A_489 = vector.broadcast %jit3A_488 : f32 to vector<256x16xf32>
      %select_n3A_490 = arith.select %eq3A_481, %broadcast_in_dim3A_489, %concatenate3A_463 : vector<256x16xi1>, vector<256x16xf32>
      %reduce_min3A_491 = arith.constant dense<0x7F800000> : vector<256xf32>
      %reduce_min3A_492 = vector.multi_reduction <minimumf>, %select_n3A_490, %reduce_min3A_491 [1] : vector<256x16xf32> to vector<256xf32>
      %broadcast_in_dim3A_493 = vector.shape_cast %reduce_min3A_492 : vector<256xf32> to vector<256x1xf32>
      %eq3A_494 = vector.broadcast %broadcast_in_dim3A_493 : vector<256x1xf32> to vector<256x16xf32>
      %eq3A_495 = arith.cmpf oeq, %select_n3A_490, %eq3A_494 : vector<256x16xf32>
      %jit3A_496 = arith.constant 16 : i32
      %broadcast_in_dim3A_497 = vector.broadcast %jit3A_496 : i32 to vector<256x16xi32>
      %select_n3A_498 = arith.select %eq3A_495, %iota3A_468, %broadcast_in_dim3A_497 : vector<256x16xi1>, vector<256x16xi32>
      %reduce_min3A_499 = arith.constant dense<2147483647> : vector<256xi32>
      %reduce_min3A_500 = vector.multi_reduction <minsi>, %select_n3A_498, %reduce_min3A_499 [1] : vector<256x16xi32> to vector<256xi32>
      %broadcast_in_dim3A_501 = vector.shape_cast %reduce_min3A_500 : vector<256xi32> to vector<256x1xi32>
      %eq3A_502 = vector.broadcast %broadcast_in_dim3A_501 : vector<256x1xi32> to vector<256x16xi32>
      %eq3A_503 = arith.cmpi eq, %iota3A_468, %eq3A_502 : vector<256x16xi32>
      %jit3A_504 = arith.constant 2147483647 : i32
      %broadcast_in_dim3A_505 = vector.broadcast %jit3A_504 : i32 to vector<256x16xi32>
      %select_n3A_506 = arith.select %eq3A_503, %concatenate3A_467, %broadcast_in_dim3A_505 : vector<256x16xi1>, vector<256x16xi32>
      %reduce_min3A_507 = arith.constant dense<2147483647> : vector<256xi32>
      %reduce_min3A_508 = vector.multi_reduction <minsi>, %select_n3A_506, %reduce_min3A_507 [1] : vector<256x16xi32> to vector<256xi32>
      %broadcast_in_dim3A_509 = vector.shape_cast %reduce_min3A_508 : vector<256xi32> to vector<256x1xi32>
      %jit3A_510 = arith.constant 9.99999968E+37 : f32
      %broadcast_in_dim3A_511 = vector.broadcast %jit3A_510 : f32 to vector<256x16xf32>
      %select_n3A_512 = arith.select %eq3A_503, %broadcast_in_dim3A_511, %select_n3A_490 : vector<256x16xi1>, vector<256x16xf32>
      %reduce_min3A_513 = arith.constant dense<0x7F800000> : vector<256xf32>
      %reduce_min3A_514 = vector.multi_reduction <minimumf>, %select_n3A_512, %reduce_min3A_513 [1] : vector<256x16xf32> to vector<256xf32>
      %broadcast_in_dim3A_515 = vector.shape_cast %reduce_min3A_514 : vector<256xf32> to vector<256x1xf32>
      %eq3A_516 = vector.broadcast %broadcast_in_dim3A_515 : vector<256x1xf32> to vector<256x16xf32>
      %eq3A_517 = arith.cmpf oeq, %select_n3A_512, %eq3A_516 : vector<256x16xf32>
      %jit3A_518 = arith.constant 16 : i32
      %broadcast_in_dim3A_519 = vector.broadcast %jit3A_518 : i32 to vector<256x16xi32>
      %select_n3A_520 = arith.select %eq3A_517, %iota3A_468, %broadcast_in_dim3A_519 : vector<256x16xi1>, vector<256x16xi32>
      %reduce_min3A_521 = arith.constant dense<2147483647> : vector<256xi32>
      %reduce_min3A_522 = vector.multi_reduction <minsi>, %select_n3A_520, %reduce_min3A_521 [1] : vector<256x16xi32> to vector<256xi32>
      %broadcast_in_dim3A_523 = vector.shape_cast %reduce_min3A_522 : vector<256xi32> to vector<256x1xi32>
      %eq3A_524 = vector.broadcast %broadcast_in_dim3A_523 : vector<256x1xi32> to vector<256x16xi32>
      %eq3A_525 = arith.cmpi eq, %iota3A_468, %eq3A_524 : vector<256x16xi32>
      %jit3A_526 = arith.constant 2147483647 : i32
      %broadcast_in_dim3A_527 = vector.broadcast %jit3A_526 : i32 to vector<256x16xi32>
      %select_n3A_528 = arith.select %eq3A_525, %concatenate3A_467, %broadcast_in_dim3A_527 : vector<256x16xi1>, vector<256x16xi32>
      %reduce_min3A_529 = arith.constant dense<2147483647> : vector<256xi32>
      %reduce_min3A_530 = vector.multi_reduction <minsi>, %select_n3A_528, %reduce_min3A_529 [1] : vector<256x16xi32> to vector<256xi32>
      %broadcast_in_dim3A_531 = vector.shape_cast %reduce_min3A_530 : vector<256xi32> to vector<256x1xi32>
      %jit3A_532 = arith.constant 9.99999968E+37 : f32
      %broadcast_in_dim3A_533 = vector.broadcast %jit3A_532 : f32 to vector<256x16xf32>
      %select_n3A_534 = arith.select %eq3A_525, %broadcast_in_dim3A_533, %select_n3A_512 : vector<256x16xi1>, vector<256x16xf32>
      %reduce_min3A_535 = arith.constant dense<0x7F800000> : vector<256xf32>
      %reduce_min3A_536 = vector.multi_reduction <minimumf>, %select_n3A_534, %reduce_min3A_535 [1] : vector<256x16xf32> to vector<256xf32>
      %broadcast_in_dim3A_537 = vector.shape_cast %reduce_min3A_536 : vector<256xf32> to vector<256x1xf32>
      %eq3A_538 = vector.broadcast %broadcast_in_dim3A_537 : vector<256x1xf32> to vector<256x16xf32>
      %eq3A_539 = arith.cmpf oeq, %select_n3A_534, %eq3A_538 : vector<256x16xf32>
      %jit3A_540 = arith.constant 16 : i32
      %broadcast_in_dim3A_541 = vector.broadcast %jit3A_540 : i32 to vector<256x16xi32>
      %select_n3A_542 = arith.select %eq3A_539, %iota3A_468, %broadcast_in_dim3A_541 : vector<256x16xi1>, vector<256x16xi32>
      %reduce_min3A_543 = arith.constant dense<2147483647> : vector<256xi32>
      %reduce_min3A_544 = vector.multi_reduction <minsi>, %select_n3A_542, %reduce_min3A_543 [1] : vector<256x16xi32> to vector<256xi32>
      %broadcast_in_dim3A_545 = vector.shape_cast %reduce_min3A_544 : vector<256xi32> to vector<256x1xi32>
      %eq3A_546 = vector.broadcast %broadcast_in_dim3A_545 : vector<256x1xi32> to vector<256x16xi32>
      %eq3A_547 = arith.cmpi eq, %iota3A_468, %eq3A_546 : vector<256x16xi32>
      %jit3A_548 = arith.constant 2147483647 : i32
      %broadcast_in_dim3A_549 = vector.broadcast %jit3A_548 : i32 to vector<256x16xi32>
      %select_n3A_550 = arith.select %eq3A_547, %concatenate3A_467, %broadcast_in_dim3A_549 : vector<256x16xi1>, vector<256x16xi32>
      %reduce_min3A_551 = arith.constant dense<2147483647> : vector<256xi32>
      %reduce_min3A_552 = vector.multi_reduction <minsi>, %select_n3A_550, %reduce_min3A_551 [1] : vector<256x16xi32> to vector<256xi32>
      %broadcast_in_dim3A_553 = vector.shape_cast %reduce_min3A_552 : vector<256xi32> to vector<256x1xi32>
      %jit3A_554 = arith.constant 9.99999968E+37 : f32
      %broadcast_in_dim3A_555 = vector.broadcast %jit3A_554 : f32 to vector<256x16xf32>
      %select_n3A_556 = arith.select %eq3A_547, %broadcast_in_dim3A_555, %select_n3A_534 : vector<256x16xi1>, vector<256x16xf32>
      %reduce_min3A_557 = arith.constant dense<0x7F800000> : vector<256xf32>
      %reduce_min3A_558 = vector.multi_reduction <minimumf>, %select_n3A_556, %reduce_min3A_557 [1] : vector<256x16xf32> to vector<256xf32>
      %broadcast_in_dim3A_559 = vector.shape_cast %reduce_min3A_558 : vector<256xf32> to vector<256x1xf32>
      %eq3A_560 = vector.broadcast %broadcast_in_dim3A_559 : vector<256x1xf32> to vector<256x16xf32>
      %eq3A_561 = arith.cmpf oeq, %select_n3A_556, %eq3A_560 : vector<256x16xf32>
      %jit3A_562 = arith.constant 16 : i32
      %broadcast_in_dim3A_563 = vector.broadcast %jit3A_562 : i32 to vector<256x16xi32>
      %select_n3A_564 = arith.select %eq3A_561, %iota3A_468, %broadcast_in_dim3A_563 : vector<256x16xi1>, vector<256x16xi32>
      %reduce_min3A_565 = arith.constant dense<2147483647> : vector<256xi32>
      %reduce_min3A_566 = vector.multi_reduction <minsi>, %select_n3A_564, %reduce_min3A_565 [1] : vector<256x16xi32> to vector<256xi32>
      %broadcast_in_dim3A_567 = vector.shape_cast %reduce_min3A_566 : vector<256xi32> to vector<256x1xi32>
      %eq3A_568 = vector.broadcast %broadcast_in_dim3A_567 : vector<256x1xi32> to vector<256x16xi32>
      %eq3A_569 = arith.cmpi eq, %iota3A_468, %eq3A_568 : vector<256x16xi32>
      %jit3A_570 = arith.constant 2147483647 : i32
      %broadcast_in_dim3A_571 = vector.broadcast %jit3A_570 : i32 to vector<256x16xi32>
      %select_n3A_572 = arith.select %eq3A_569, %concatenate3A_467, %broadcast_in_dim3A_571 : vector<256x16xi1>, vector<256x16xi32>
      %reduce_min3A_573 = arith.constant dense<2147483647> : vector<256xi32>
      %reduce_min3A_574 = vector.multi_reduction <minsi>, %select_n3A_572, %reduce_min3A_573 [1] : vector<256x16xi32> to vector<256xi32>
      %broadcast_in_dim3A_575 = vector.shape_cast %reduce_min3A_574 : vector<256xi32> to vector<256x1xi32>
      %jit3A_576 = arith.constant 9.99999968E+37 : f32
      %broadcast_in_dim3A_577 = vector.broadcast %jit3A_576 : f32 to vector<256x16xf32>
      %select_n3A_578 = arith.select %eq3A_569, %broadcast_in_dim3A_577, %select_n3A_556 : vector<256x16xi1>, vector<256x16xf32>
      %reduce_min3A_579 = arith.constant dense<0x7F800000> : vector<256xf32>
      %reduce_min3A_580 = vector.multi_reduction <minimumf>, %select_n3A_578, %reduce_min3A_579 [1] : vector<256x16xf32> to vector<256xf32>
      %broadcast_in_dim3A_581 = vector.shape_cast %reduce_min3A_580 : vector<256xf32> to vector<256x1xf32>
      %eq3A_582 = vector.broadcast %broadcast_in_dim3A_581 : vector<256x1xf32> to vector<256x16xf32>
      %eq3A_583 = arith.cmpf oeq, %select_n3A_578, %eq3A_582 : vector<256x16xf32>
      %jit3A_584 = arith.constant 16 : i32
      %broadcast_in_dim3A_585 = vector.broadcast %jit3A_584 : i32 to vector<256x16xi32>
      %select_n3A_586 = arith.select %eq3A_583, %iota3A_468, %broadcast_in_dim3A_585 : vector<256x16xi1>, vector<256x16xi32>
      %reduce_min3A_587 = arith.constant dense<2147483647> : vector<256xi32>
      %reduce_min3A_588 = vector.multi_reduction <minsi>, %select_n3A_586, %reduce_min3A_587 [1] : vector<256x16xi32> to vector<256xi32>
      %broadcast_in_dim3A_589 = vector.shape_cast %reduce_min3A_588 : vector<256xi32> to vector<256x1xi32>
      %eq3A_590 = vector.broadcast %broadcast_in_dim3A_589 : vector<256x1xi32> to vector<256x16xi32>
      %eq3A_591 = arith.cmpi eq, %iota3A_468, %eq3A_590 : vector<256x16xi32>
      %jit3A_592 = arith.constant 2147483647 : i32
      %broadcast_in_dim3A_593 = vector.broadcast %jit3A_592 : i32 to vector<256x16xi32>
      %select_n3A_594 = arith.select %eq3A_591, %concatenate3A_467, %broadcast_in_dim3A_593 : vector<256x16xi1>, vector<256x16xi32>
      %reduce_min3A_595 = arith.constant dense<2147483647> : vector<256xi32>
      %reduce_min3A_596 = vector.multi_reduction <minsi>, %select_n3A_594, %reduce_min3A_595 [1] : vector<256x16xi32> to vector<256xi32>
      %broadcast_in_dim3A_597 = vector.shape_cast %reduce_min3A_596 : vector<256xi32> to vector<256x1xi32>
      %jit3A_598 = arith.constant 9.99999968E+37 : f32
      %broadcast_in_dim3A_599 = vector.broadcast %jit3A_598 : f32 to vector<256x16xf32>
      %select_n3A_600 = arith.select %eq3A_591, %broadcast_in_dim3A_599, %select_n3A_578 : vector<256x16xi1>, vector<256x16xf32>
      %reduce_min3A_601 = arith.constant dense<0x7F800000> : vector<256xf32>
      %reduce_min3A_602 = vector.multi_reduction <minimumf>, %select_n3A_600, %reduce_min3A_601 [1] : vector<256x16xf32> to vector<256xf32>
      %broadcast_in_dim3A_603 = vector.shape_cast %reduce_min3A_602 : vector<256xf32> to vector<256x1xf32>
      %eq3A_604 = vector.broadcast %broadcast_in_dim3A_603 : vector<256x1xf32> to vector<256x16xf32>
      %eq3A_605 = arith.cmpf oeq, %select_n3A_600, %eq3A_604 : vector<256x16xf32>
      %jit3A_606 = arith.constant 16 : i32
      %broadcast_in_dim3A_607 = vector.broadcast %jit3A_606 : i32 to vector<256x16xi32>
      %select_n3A_608 = arith.select %eq3A_605, %iota3A_468, %broadcast_in_dim3A_607 : vector<256x16xi1>, vector<256x16xi32>
      %reduce_min3A_609 = arith.constant dense<2147483647> : vector<256xi32>
      %reduce_min3A_610 = vector.multi_reduction <minsi>, %select_n3A_608, %reduce_min3A_609 [1] : vector<256x16xi32> to vector<256xi32>
      %broadcast_in_dim3A_611 = vector.shape_cast %reduce_min3A_610 : vector<256xi32> to vector<256x1xi32>
      %eq3A_612 = vector.broadcast %broadcast_in_dim3A_611 : vector<256x1xi32> to vector<256x16xi32>
      %eq3A_613 = arith.cmpi eq, %iota3A_468, %eq3A_612 : vector<256x16xi32>
      %jit3A_614 = arith.constant 2147483647 : i32
      %broadcast_in_dim3A_615 = vector.broadcast %jit3A_614 : i32 to vector<256x16xi32>
      %select_n3A_616 = arith.select %eq3A_613, %concatenate3A_467, %broadcast_in_dim3A_615 : vector<256x16xi1>, vector<256x16xi32>
      %reduce_min3A_617 = arith.constant dense<2147483647> : vector<256xi32>
      %reduce_min3A_618 = vector.multi_reduction <minsi>, %select_n3A_616, %reduce_min3A_617 [1] : vector<256x16xi32> to vector<256xi32>
      %broadcast_in_dim3A_619 = vector.shape_cast %reduce_min3A_618 : vector<256xi32> to vector<256x1xi32>
      %jit3A_620 = arith.constant 9.99999968E+37 : f32
      %broadcast_in_dim3A_621 = vector.broadcast %jit3A_620 : f32 to vector<256x16xf32>
      %select_n3A_622 = arith.select %eq3A_613, %broadcast_in_dim3A_621, %select_n3A_600 : vector<256x16xi1>, vector<256x16xf32>
      %reduce_min3A_623 = arith.constant dense<0x7F800000> : vector<256xf32>
      %reduce_min3A_624 = vector.multi_reduction <minimumf>, %select_n3A_622, %reduce_min3A_623 [1] : vector<256x16xf32> to vector<256xf32>
      %broadcast_in_dim3A_625 = vector.shape_cast %reduce_min3A_624 : vector<256xf32> to vector<256x1xf32>
      %eq3A_626 = vector.broadcast %broadcast_in_dim3A_625 : vector<256x1xf32> to vector<256x16xf32>
      %eq3A_627 = arith.cmpf oeq, %select_n3A_622, %eq3A_626 : vector<256x16xf32>
      %jit3A_628 = arith.constant 16 : i32
      %broadcast_in_dim3A_629 = vector.broadcast %jit3A_628 : i32 to vector<256x16xi32>
      %select_n3A_630 = arith.select %eq3A_627, %iota3A_468, %broadcast_in_dim3A_629 : vector<256x16xi1>, vector<256x16xi32>
      %reduce_min3A_631 = arith.constant dense<2147483647> : vector<256xi32>
      %reduce_min3A_632 = vector.multi_reduction <minsi>, %select_n3A_630, %reduce_min3A_631 [1] : vector<256x16xi32> to vector<256xi32>
      %broadcast_in_dim3A_633 = vector.shape_cast %reduce_min3A_632 : vector<256xi32> to vector<256x1xi32>
      %eq3A_634 = vector.broadcast %broadcast_in_dim3A_633 : vector<256x1xi32> to vector<256x16xi32>
      %eq3A_635 = arith.cmpi eq, %iota3A_468, %eq3A_634 : vector<256x16xi32>
      %jit3A_636 = arith.constant 2147483647 : i32
      %broadcast_in_dim3A_637 = vector.broadcast %jit3A_636 : i32 to vector<256x16xi32>
      %select_n3A_638 = arith.select %eq3A_635, %concatenate3A_467, %broadcast_in_dim3A_637 : vector<256x16xi1>, vector<256x16xi32>
      %reduce_min3A_639 = arith.constant dense<2147483647> : vector<256xi32>
      %reduce_min3A_640 = vector.multi_reduction <minsi>, %select_n3A_638, %reduce_min3A_639 [1] : vector<256x16xi32> to vector<256xi32>
      %broadcast_in_dim3A_641 = vector.shape_cast %reduce_min3A_640 : vector<256xi32> to vector<256x1xi32>
      %jit3A_642 = arith.constant 9.99999968E+37 : f32
      %broadcast_in_dim3A_643 = vector.broadcast %jit3A_642 : f32 to vector<256x16xf32>
      %select_n3A_644 = arith.select %eq3A_635, %broadcast_in_dim3A_643, %select_n3A_622 : vector<256x16xi1>, vector<256x16xf32>
      %concatenate3A_645 = tpu.concatenate %broadcast_in_dim3A_471, %broadcast_in_dim3A_493, %broadcast_in_dim3A_515, %broadcast_in_dim3A_537, %broadcast_in_dim3A_559, %broadcast_in_dim3A_581, %broadcast_in_dim3A_603, %broadcast_in_dim3A_625 in 1 : vector<256x1xf32>, vector<256x1xf32>, vector<256x1xf32>, vector<256x1xf32>, vector<256x1xf32>, vector<256x1xf32>, vector<256x1xf32>, vector<256x1xf32> -> vector<256x8xf32>
      %swap3A_646 = arith.constant 0 : index
      %swap3A_647 = arith.constant 0 : index
      %swap3A_648 = vector.load %arg10[%swap3A_646, %swap3A_647] : memref<256x8xf32, #tpu.memory_space<vmem>>, vector<256x8xf32>
      tpu.vector_store %arg10[%swap3A_646, %swap3A_647], %concatenate3A_645 {strides = array<i32>} : memref<256x8xf32, #tpu.memory_space<vmem>>, vector<256x8xf32>,
      %concatenate3A_649 = tpu.concatenate %broadcast_in_dim3A_487, %broadcast_in_dim3A_509, %broadcast_in_dim3A_531, %broadcast_in_dim3A_553, %broadcast_in_dim3A_575, %broadcast_in_dim3A_597, %broadcast_in_dim3A_619, %broadcast_in_dim3A_641 in 1 : vector<256x1xi32>, vector<256x1xi32>, vector<256x1xi32>, vector<256x1xi32>, vector<256x1xi32>, vector<256x1xi32>, vector<256x1xi32>, vector<256x1xi32> -> vector<256x8xi32>
      %swap3A_650 = arith.constant 0 : index
      %swap3A_651 = arith.constant 0 : index
      %swap3A_652 = vector.load %arg8[%swap3A_650, %swap3A_651] : memref<256x8xi32, #tpu.memory_space<vmem>>, vector<256x8xi32>
      tpu.vector_store %arg8[%swap3A_650, %swap3A_651], %concatenate3A_649 {strides = array<i32>} : memref<256x8xi32, #tpu.memory_space<vmem>>, vector<256x8xi32>,
    }
    %while3A_239 = arith.constant 1 : i32
    scf.for %while3A_240 = %while3A_237 to %while3A_233 step %while3A_239  : i32 {
      %mul3A_241 = arith.constant 5 : i32
      %mul3A_242 = arith.muli %mul3A_241, %while3A_240 : i32
      %add3A_243 = arith.addi %get3A_26, %mul3A_242 : i32
      %min3A = arith.constant 27 : i32
      %min3A_244 = arith.minsi %add3A_243, %min3A : i32
      %mul3A_245 = arith.constant 512 : i32
      %mul3A_246 = arith.muli %get3A_26, %mul3A_245 : i32
      %mul3A_247 = arith.constant 2560 : i32
      %mul3A_248 = arith.muli %while3A_240, %mul3A_247 : i32
      %add3A_249 = arith.addi %mul3A_246, %mul3A_248 : i32
      %get3A_250 = arith.index_cast %min3A_244 : i32 to index
      %get3A_251 = arith.constant 0 : index
      %get3A_252 = arith.constant 0 : index
      %get3A_253 = vector.load %arg3[%get3A_250, %get3A_251, %get3A_252] : memref<28x1x2560xf32, #tpu.memory_space<vmem>>, vector<1x1x2560xf32>
      %get3A_254 = vector.shape_cast %get3A_253 : vector<1x1x2560xf32> to vector<1x2560xf32>
      %get3A_255 = arith.index_cast %min3A_244 : i32 to index
      %get3A_256 = arith.constant 0 : index
      %get3A_257 = arith.constant 0 : index
      %get3A_258 = vector.load %arg4[%get3A_255, %get3A_256, %get3A_257] : memref<28x3x2560xf32, #tpu.memory_space<vmem>>, vector<1x3x2560xf32>
      %get3A_259 = vector.shape_cast %get3A_258 : vector<1x3x2560xf32> to vector<3x2560xf32>
      %slice3A_260 = vector.extract_strided_slice %get3A_259 {offsets = [0, 0], sizes = [1, 2560], strides = [1, 1]} : vector<3x2560xf32> to vector<1x2560xf32>
      %mul3A_261 = vector.broadcast %get3A_4 : vector<256x1xf32> to vector<256x2560xf32>
      %mul3A_262 = vector.broadcast %slice3A_260 : vector<1x2560xf32> to vector<256x2560xf32>
      %mul3A_263 = arith.mulf %mul3A_261, %mul3A_262 : vector<256x2560xf32>
      %slice3A_264 = vector.extract_strided_slice %get3A_259 {offsets = [1, 0], sizes = [1, 2560], strides = [1, 1]} : vector<3x2560xf32> to vector<1x2560xf32>
      %mul3A_265 = vector.broadcast %get3A_7 : vector<256x1xf32> to vector<256x2560xf32>
      %mul3A_266 = vector.broadcast %slice3A_264 : vector<1x2560xf32> to vector<256x2560xf32>
      %mul3A_267 = arith.mulf %mul3A_265, %mul3A_266 : vector<256x2560xf32>
      %add3A_268 = arith.addf %mul3A_263, %mul3A_267 : vector<256x2560xf32>
      %slice3A_269 = vector.extract_strided_slice %get3A_259 {offsets = [2, 0], sizes = [1, 2560], strides = [1, 1]} : vector<3x2560xf32> to vector<1x2560xf32>
      %mul3A_270 = vector.broadcast %get3A_10 : vector<256x1xf32> to vector<256x2560xf32>
      %mul3A_271 = vector.broadcast %slice3A_269 : vector<1x2560xf32> to vector<256x2560xf32>
      %mul3A_272 = arith.mulf %mul3A_270, %mul3A_271 : vector<256x2560xf32>
      %add3A_273 = arith.addf %add3A_268, %mul3A_272 : vector<256x2560xf32>
      %add3A_274 = vector.broadcast %get3A_1 : vector<256x1xf32> to vector<256x2560xf32>
      %add3A_275 = vector.broadcast %get3A_254 : vector<1x2560xf32> to vector<256x2560xf32>
      %add3A_276 = arith.addf %add3A_274, %add3A_275 : vector<256x2560xf32>
      %mul3A_277 = arith.constant 2.000000e+00 : f32
      %mul3A_278 = vector.broadcast %mul3A_277 : f32 to vector<256x2560xf32>
      %mul3A_279 = arith.mulf %mul3A_278, %add3A_273 : vector<256x2560xf32>
      %sub3A_280 = arith.subf %add3A_276, %mul3A_279 : vector<256x2560xf32>
      %iota3A_281 = tpu.iota {dimensions = array<i32: 1>} : vector<256x2560xi32>
      %mul3A_282 = arith.constant 512 : i32
      %mul3A_283 = arith.muli %min3A_244, %mul3A_282 : i32
      %add3A_284 = vector.broadcast %mul3A_283 : i32 to vector<256x2560xi32>
      %add3A_285 = arith.addi %iota3A_281, %add3A_284 : vector<256x2560xi32>
      %ge3A_286 = vector.broadcast %get3A_13 : vector<256x1xi32> to vector<256x2560xi32>
      %ge3A_287 = arith.cmpi sge, %add3A_285, %ge3A_286 : vector<256x2560xi32>
      %lt3A_288 = vector.broadcast %get3A_16 : vector<256x1xi32> to vector<256x2560xi32>
      %lt3A_289 = arith.cmpi slt, %add3A_285, %lt3A_288 : vector<256x2560xi32>
      %and3A_290 = arith.andi %ge3A_287, %lt3A_289 : vector<256x2560xi1>
      %ge3A_291 = vector.broadcast %add3A_249 : i32 to vector<256x2560xi32>
      %ge3A_292 = arith.cmpi sge, %add3A_285, %ge3A_291 : vector<256x2560xi32>
      %and3A_293 = arith.andi %and3A_290, %ge3A_292 : vector<256x2560xi1>
      %jit3A_294 = arith.constant 1.000000e+10 : f32
      %broadcast_in_dim3A_295 = vector.broadcast %jit3A_294 : f32 to vector<256x2560xf32>
      %select_n3A_296 = arith.select %and3A_293, %sub3A_280, %broadcast_in_dim3A_295 : vector<256x2560xi1>, vector<256x2560xf32>
      %swap3A_297 = arith.constant 0 : index
      %swap3A_298 = arith.constant 0 : index
      %swap3A_299 = vector.load %arg9[%swap3A_297, %swap3A_298] : memref<256x2560xf32, #tpu.memory_space<vmem>>, vector<256x2560xf32>
      tpu.vector_store %arg9[%swap3A_297, %swap3A_298], %select_n3A_296 {strides = array<i32>} : memref<256x2560xf32, #tpu.memory_space<vmem>>, vector<256x2560xf32>,
      %get3A_300 = arith.constant 0 : index
      %get3A_301 = arith.constant 0 : index
      %get3A_302 = vector.load %arg9[%get3A_300, %get3A_301] : memref<256x2560xf32, #tpu.memory_space<vmem>>, vector<256x2560xf32>
      %reduce_min3A_303 = arith.constant dense<0x7F800000> : vector<256xf32>
      %reduce_min3A_304 = vector.multi_reduction <minimumf>, %get3A_302, %reduce_min3A_303 [1] : vector<256x2560xf32> to vector<256xf32>
      %broadcast_in_dim3A_305 = vector.shape_cast %reduce_min3A_304 : vector<256xf32> to vector<256x1xf32>
      %eq3A_306 = vector.broadcast %broadcast_in_dim3A_305 : vector<256x1xf32> to vector<256x2560xf32>
      %eq3A_307 = arith.cmpf oeq, %get3A_302, %eq3A_306 : vector<256x2560xf32>
      %jit3A_308 = arith.constant 2147483647 : i32
      %broadcast_in_dim3A_309 = vector.broadcast %jit3A_308 : i32 to vector<256x2560xi32>
      %select_n3A_310 = arith.select %eq3A_307, %add3A_285, %broadcast_in_dim3A_309 : vector<256x2560xi1>, vector<256x2560xi32>
      %reduce_min3A_311 = arith.constant dense<2147483647> : vector<256xi32>
      %reduce_min3A_312 = vector.multi_reduction <minsi>, %select_n3A_310, %reduce_min3A_311 [1] : vector<256x2560xi32> to vector<256xi32>
      %broadcast_in_dim3A_313 = vector.shape_cast %reduce_min3A_312 : vector<256xi32> to vector<256x1xi32>
      %jit3A_314 = arith.constant 1.000000e+30 : f32
      %broadcast_in_dim3A_315 = vector.broadcast %jit3A_314 : f32 to vector<256x2560xf32>
      %select_n3A_316 = arith.select %eq3A_307, %broadcast_in_dim3A_315, %get3A_302 : vector<256x2560xi1>, vector<256x2560xf32>
      %swap3A_317 = arith.constant 0 : index
      %swap3A_318 = arith.constant 0 : index
      %swap3A_319 = vector.load %arg9[%swap3A_317, %swap3A_318] : memref<256x2560xf32, #tpu.memory_space<vmem>>, vector<256x2560xf32>
      tpu.vector_store %arg9[%swap3A_317, %swap3A_318], %select_n3A_316 {strides = array<i32>} : memref<256x2560xf32, #tpu.memory_space<vmem>>, vector<256x2560xf32>,
      %get3A_320 = arith.constant 0 : index
      %get3A_321 = arith.constant 0 : index
      %get3A_322 = vector.load %arg9[%get3A_320, %get3A_321] : memref<256x2560xf32, #tpu.memory_space<vmem>>, vector<256x2560xf32>
      %reduce_min3A_323 = arith.constant dense<0x7F800000> : vector<256xf32>
      %reduce_min3A_324 = vector.multi_reduction <minimumf>, %get3A_322, %reduce_min3A_323 [1] : vector<256x2560xf32> to vector<256xf32>
      %broadcast_in_dim3A_325 = vector.shape_cast %reduce_min3A_324 : vector<256xf32> to vector<256x1xf32>
      %eq3A_326 = vector.broadcast %broadcast_in_dim3A_325 : vector<256x1xf32> to vector<256x2560xf32>
      %eq3A_327 = arith.cmpf oeq, %get3A_322, %eq3A_326 : vector<256x2560xf32>
      %jit3A_328 = arith.constant 2147483647 : i32
      %broadcast_in_dim3A_329 = vector.broadcast %jit3A_328 : i32 to vector<256x2560xi32>
      %select_n3A_330 = arith.select %eq3A_327, %add3A_285, %broadcast_in_dim3A_329 : vector<256x2560xi1>, vector<256x2560xi32>
      %reduce_min3A_331 = arith.constant dense<2147483647> : vector<256xi32>
      %reduce_min3A_332 = vector.multi_reduction <minsi>, %select_n3A_330, %reduce_min3A_331 [1] : vector<256x2560xi32> to vector<256xi32>
      %broadcast_in_dim3A_333 = vector.shape_cast %reduce_min3A_332 : vector<256xi32> to vector<256x1xi32>
      %jit3A_334 = arith.constant 1.000000e+30 : f32
      %broadcast_in_dim3A_335 = vector.broadcast %jit3A_334 : f32 to vector<256x2560xf32>
      %select_n3A_336 = arith.select %eq3A_327, %broadcast_in_dim3A_335, %get3A_322 : vector<256x2560xi1>, vector<256x2560xf32>
      %swap3A_337 = arith.constant 0 : index
      %swap3A_338 = arith.constant 0 : index
      %swap3A_339 = vector.load %arg9[%swap3A_337, %swap3A_338] : memref<256x2560xf32, #tpu.memory_space<vmem>>, vector<256x2560xf32>
      tpu.vector_store %arg9[%swap3A_337, %swap3A_338], %select_n3A_336 {strides = array<i32>} : memref<256x2560xf32, #tpu.memory_space<vmem>>, vector<256x2560xf32>,
      %get3A_340 = arith.constant 0 : index
      %get3A_341 = arith.constant 0 : index
      %get3A_342 = vector.load %arg9[%get3A_340, %get3A_341] : memref<256x2560xf32, #tpu.memory_space<vmem>>, vector<256x2560xf32>
      %reduce_min3A_343 = arith.constant dense<0x7F800000> : vector<256xf32>
      %reduce_min3A_344 = vector.multi_reduction <minimumf>, %get3A_342, %reduce_min3A_343 [1] : vector<256x2560xf32> to vector<256xf32>
      %broadcast_in_dim3A_345 = vector.shape_cast %reduce_min3A_344 : vector<256xf32> to vector<256x1xf32>
      %eq3A_346 = vector.broadcast %broadcast_in_dim3A_345 : vector<256x1xf32> to vector<256x2560xf32>
      %eq3A_347 = arith.cmpf oeq, %get3A_342, %eq3A_346 : vector<256x2560xf32>
      %jit3A_348 = arith.constant 2147483647 : i32
      %broadcast_in_dim3A_349 = vector.broadcast %jit3A_348 : i32 to vector<256x2560xi32>
      %select_n3A_350 = arith.select %eq3A_347, %add3A_285, %broadcast_in_dim3A_349 : vector<256x2560xi1>, vector<256x2560xi32>
      %reduce_min3A_351 = arith.constant dense<2147483647> : vector<256xi32>
      %reduce_min3A_352 = vector.multi_reduction <minsi>, %select_n3A_350, %reduce_min3A_351 [1] : vector<256x2560xi32> to vector<256xi32>
      %broadcast_in_dim3A_353 = vector.shape_cast %reduce_min3A_352 : vector<256xi32> to vector<256x1xi32>
      %jit3A_354 = arith.constant 1.000000e+30 : f32
      %broadcast_in_dim3A_355 = vector.broadcast %jit3A_354 : f32 to vector<256x2560xf32>
      %select_n3A_356 = arith.select %eq3A_347, %broadcast_in_dim3A_355, %get3A_342 : vector<256x2560xi1>, vector<256x2560xf32>
      %swap3A_357 = arith.constant 0 : index
      %swap3A_358 = arith.constant 0 : index
      %swap3A_359 = vector.load %arg9[%swap3A_357, %swap3A_358] : memref<256x2560xf32, #tpu.memory_space<vmem>>, vector<256x2560xf32>
      tpu.vector_store %arg9[%swap3A_357, %swap3A_358], %select_n3A_356 {strides = array<i32>} : memref<256x2560xf32, #tpu.memory_space<vmem>>, vector<256x2560xf32>,
      %get3A_360 = arith.constant 0 : index
      %get3A_361 = arith.constant 0 : index
      %get3A_362 = vector.load %arg9[%get3A_360, %get3A_361] : memref<256x2560xf32, #tpu.memory_space<vmem>>, vector<256x2560xf32>
      %reduce_min3A_363 = arith.constant dense<0x7F800000> : vector<256xf32>
      %reduce_min3A_364 = vector.multi_reduction <minimumf>, %get3A_362, %reduce_min3A_363 [1] : vector<256x2560xf32> to vector<256xf32>
      %broadcast_in_dim3A_365 = vector.shape_cast %reduce_min3A_364 : vector<256xf32> to vector<256x1xf32>
      %eq3A_366 = vector.broadcast %broadcast_in_dim3A_365 : vector<256x1xf32> to vector<256x2560xf32>
      %eq3A_367 = arith.cmpf oeq, %get3A_362, %eq3A_366 : vector<256x2560xf32>
      %jit3A_368 = arith.constant 2147483647 : i32
      %broadcast_in_dim3A_369 = vector.broadcast %jit3A_368 : i32 to vector<256x2560xi32>
      %select_n3A_370 = arith.select %eq3A_367, %add3A_285, %broadcast_in_dim3A_369 : vector<256x2560xi1>, vector<256x2560xi32>
      %reduce_min3A_371 = arith.constant dense<2147483647> : vector<256xi32>
      %reduce_min3A_372 = vector.multi_reduction <minsi>, %select_n3A_370, %reduce_min3A_371 [1] : vector<256x2560xi32> to vector<256xi32>
      %broadcast_in_dim3A_373 = vector.shape_cast %reduce_min3A_372 : vector<256xi32> to vector<256x1xi32>
      %jit3A_374 = arith.constant 1.000000e+30 : f32
      %broadcast_in_dim3A_375 = vector.broadcast %jit3A_374 : f32 to vector<256x2560xf32>
      %select_n3A_376 = arith.select %eq3A_367, %broadcast_in_dim3A_375, %get3A_362 : vector<256x2560xi1>, vector<256x2560xf32>
      %swap3A_377 = arith.constant 0 : index
      %swap3A_378 = arith.constant 0 : index
      %swap3A_379 = vector.load %arg9[%swap3A_377, %swap3A_378] : memref<256x2560xf32, #tpu.memory_space<vmem>>, vector<256x2560xf32>
      tpu.vector_store %arg9[%swap3A_377, %swap3A_378], %select_n3A_376 {strides = array<i32>} : memref<256x2560xf32, #tpu.memory_space<vmem>>, vector<256x2560xf32>,
      %get3A_380 = arith.constant 0 : index
      %get3A_381 = arith.constant 0 : index
      %get3A_382 = vector.load %arg9[%get3A_380, %get3A_381] : memref<256x2560xf32, #tpu.memory_space<vmem>>, vector<256x2560xf32>
      %reduce_min3A_383 = arith.constant dense<0x7F800000> : vector<256xf32>
      %reduce_min3A_384 = vector.multi_reduction <minimumf>, %get3A_382, %reduce_min3A_383 [1] : vector<256x2560xf32> to vector<256xf32>
      %broadcast_in_dim3A_385 = vector.shape_cast %reduce_min3A_384 : vector<256xf32> to vector<256x1xf32>
      %eq3A_386 = vector.broadcast %broadcast_in_dim3A_385 : vector<256x1xf32> to vector<256x2560xf32>
      %eq3A_387 = arith.cmpf oeq, %get3A_382, %eq3A_386 : vector<256x2560xf32>
      %jit3A_388 = arith.constant 2147483647 : i32
      %broadcast_in_dim3A_389 = vector.broadcast %jit3A_388 : i32 to vector<256x2560xi32>
      %select_n3A_390 = arith.select %eq3A_387, %add3A_285, %broadcast_in_dim3A_389 : vector<256x2560xi1>, vector<256x2560xi32>
      %reduce_min3A_391 = arith.constant dense<2147483647> : vector<256xi32>
      %reduce_min3A_392 = vector.multi_reduction <minsi>, %select_n3A_390, %reduce_min3A_391 [1] : vector<256x2560xi32> to vector<256xi32>
      %broadcast_in_dim3A_393 = vector.shape_cast %reduce_min3A_392 : vector<256xi32> to vector<256x1xi32>
      %jit3A_394 = arith.constant 1.000000e+30 : f32
      %broadcast_in_dim3A_395 = vector.broadcast %jit3A_394 : f32 to vector<256x2560xf32>
      %select_n3A_396 = arith.select %eq3A_387, %broadcast_in_dim3A_395, %get3A_382 : vector<256x2560xi1>, vector<256x2560xf32>
      %swap3A_397 = arith.constant 0 : index
      %swap3A_398 = arith.constant 0 : index
      %swap3A_399 = vector.load %arg9[%swap3A_397, %swap3A_398] : memref<256x2560xf32, #tpu.memory_space<vmem>>, vector<256x2560xf32>
      tpu.vector_store %arg9[%swap3A_397, %swap3A_398], %select_n3A_396 {strides = array<i32>} : memref<256x2560xf32, #tpu.memory_space<vmem>>, vector<256x2560xf32>,
      %get3A_400 = arith.constant 0 : index
      %get3A_401 = arith.constant 0 : index
      %get3A_402 = vector.load %arg9[%get3A_400, %get3A_401] : memref<256x2560xf32, #tpu.memory_space<vmem>>, vector<256x2560xf32>
      %reduce_min3A_403 = arith.constant dense<0x7F800000> : vector<256xf32>
      %reduce_min3A_404 = vector.multi_reduction <minimumf>, %get3A_402, %reduce_min3A_403 [1] : vector<256x2560xf32> to vector<256xf32>
      %broadcast_in_dim3A_405 = vector.shape_cast %reduce_min3A_404 : vector<256xf32> to vector<256x1xf32>
      %eq3A_406 = vector.broadcast %broadcast_in_dim3A_405 : vector<256x1xf32> to vector<256x2560xf32>
      %eq3A_407 = arith.cmpf oeq, %get3A_402, %eq3A_406 : vector<256x2560xf32>
      %jit3A_408 = arith.constant 2147483647 : i32
      %broadcast_in_dim3A_409 = vector.broadcast %jit3A_408 : i32 to vector<256x2560xi32>
      %select_n3A_410 = arith.select %eq3A_407, %add3A_285, %broadcast_in_dim3A_409 : vector<256x2560xi1>, vector<256x2560xi32>
      %reduce_min3A_411 = arith.constant dense<2147483647> : vector<256xi32>
      %reduce_min3A_412 = vector.multi_reduction <minsi>, %select_n3A_410, %reduce_min3A_411 [1] : vector<256x2560xi32> to vector<256xi32>
      %broadcast_in_dim3A_413 = vector.shape_cast %reduce_min3A_412 : vector<256xi32> to vector<256x1xi32>
      %jit3A_414 = arith.constant 1.000000e+30 : f32
      %broadcast_in_dim3A_415 = vector.broadcast %jit3A_414 : f32 to vector<256x2560xf32>
      %select_n3A_416 = arith.select %eq3A_407, %broadcast_in_dim3A_415, %get3A_402 : vector<256x2560xi1>, vector<256x2560xf32>
      %swap3A_417 = arith.constant 0 : index
      %swap3A_418 = arith.constant 0 : index
      %swap3A_419 = vector.load %arg9[%swap3A_417, %swap3A_418] : memref<256x2560xf32, #tpu.memory_space<vmem>>, vector<256x2560xf32>
      tpu.vector_store %arg9[%swap3A_417, %swap3A_418], %select_n3A_416 {strides = array<i32>} : memref<256x2560xf32, #tpu.memory_space<vmem>>, vector<256x2560xf32>,
      %get3A_420 = arith.constant 0 : index
      %get3A_421 = arith.constant 0 : index
      %get3A_422 = vector.load %arg9[%get3A_420, %get3A_421] : memref<256x2560xf32, #tpu.memory_space<vmem>>, vector<256x2560xf32>
      %reduce_min3A_423 = arith.constant dense<0x7F800000> : vector<256xf32>
      %reduce_min3A_424 = vector.multi_reduction <minimumf>, %get3A_422, %reduce_min3A_423 [1] : vector<256x2560xf32> to vector<256xf32>
      %broadcast_in_dim3A_425 = vector.shape_cast %reduce_min3A_424 : vector<256xf32> to vector<256x1xf32>
      %eq3A_426 = vector.broadcast %broadcast_in_dim3A_425 : vector<256x1xf32> to vector<256x2560xf32>
      %eq3A_427 = arith.cmpf oeq, %get3A_422, %eq3A_426 : vector<256x2560xf32>
      %jit3A_428 = arith.constant 2147483647 : i32
      %broadcast_in_dim3A_429 = vector.broadcast %jit3A_428 : i32 to vector<256x2560xi32>
      %select_n3A_430 = arith.select %eq3A_427, %add3A_285, %broadcast_in_dim3A_429 : vector<256x2560xi1>, vector<256x2560xi32>
      %reduce_min3A_431 = arith.constant dense<2147483647> : vector<256xi32>
      %reduce_min3A_432 = vector.multi_reduction <minsi>, %select_n3A_430, %reduce_min3A_431 [1] : vector<256x2560xi32> to vector<256xi32>
      %broadcast_in_dim3A_433 = vector.shape_cast %reduce_min3A_432 : vector<256xi32> to vector<256x1xi32>
      %jit3A_434 = arith.constant 1.000000e+30 : f32
      %broadcast_in_dim3A_435 = vector.broadcast %jit3A_434 : f32 to vector<256x2560xf32>
      %select_n3A_436 = arith.select %eq3A_427, %broadcast_in_dim3A_435, %get3A_422 : vector<256x2560xi1>, vector<256x2560xf32>
      %swap3A_437 = arith.constant 0 : index
      %swap3A_438 = arith.constant 0 : index
      %swap3A_439 = vector.load %arg9[%swap3A_437, %swap3A_438] : memref<256x2560xf32, #tpu.memory_space<vmem>>, vector<256x2560xf32>
      tpu.vector_store %arg9[%swap3A_437, %swap3A_438], %select_n3A_436 {strides = array<i32>} : memref<256x2560xf32, #tpu.memory_space<vmem>>, vector<256x2560xf32>,
      %get3A_440 = arith.constant 0 : index
      %get3A_441 = arith.constant 0 : index
      %get3A_442 = vector.load %arg9[%get3A_440, %get3A_441] : memref<256x2560xf32, #tpu.memory_space<vmem>>, vector<256x2560xf32>
      %reduce_min3A_443 = arith.constant dense<0x7F800000> : vector<256xf32>
      %reduce_min3A_444 = vector.multi_reduction <minimumf>, %get3A_442, %reduce_min3A_443 [1] : vector<256x2560xf32> to vector<256xf32>
      %broadcast_in_dim3A_445 = vector.shape_cast %reduce_min3A_444 : vector<256xf32> to vector<256x1xf32>
      %eq3A_446 = vector.broadcast %broadcast_in_dim3A_445 : vector<256x1xf32> to vector<256x2560xf32>
      %eq3A_447 = arith.cmpf oeq, %get3A_442, %eq3A_446 : vector<256x2560xf32>
      %jit3A_448 = arith.constant 2147483647 : i32
      %broadcast_in_dim3A_449 = vector.broadcast %jit3A_448 : i32 to vector<256x2560xi32>
      %select_n3A_450 = arith.select %eq3A_447, %add3A_285, %broadcast_in_dim3A_449 : vector<256x2560xi1>, vector<256x2560xi32>
      %reduce_min3A_451 = arith.constant dense<2147483647> : vector<256xi32>
      %reduce_min3A_452 = vector.multi_reduction <minsi>, %select_n3A_450, %reduce_min3A_451 [1] : vector<256x2560xi32> to vector<256xi32>
      %broadcast_in_dim3A_453 = vector.shape_cast %reduce_min3A_452 : vector<256xi32> to vector<256x1xi32>
      %jit3A_454 = arith.constant 1.000000e+30 : f32
      %broadcast_in_dim3A_455 = vector.broadcast %jit3A_454 : f32 to vector<256x2560xf32>
      %select_n3A_456 = arith.select %eq3A_447, %broadcast_in_dim3A_455, %get3A_442 : vector<256x2560xi1>, vector<256x2560xf32>
      %swap3A_457 = arith.constant 0 : index
      %swap3A_458 = arith.constant 0 : index
      %swap3A_459 = vector.load %arg9[%swap3A_457, %swap3A_458] : memref<256x2560xf32, #tpu.memory_space<vmem>>, vector<256x2560xf32>
      tpu.vector_store %arg9[%swap3A_457, %swap3A_458], %select_n3A_456 {strides = array<i32>} : memref<256x2560xf32, #tpu.memory_space<vmem>>, vector<256x2560xf32>,
      %get3A_460 = arith.constant 0 : index
      %get3A_461 = arith.constant 0 : index
      %get3A_462 = vector.load %arg10[%get3A_460, %get3A_461] : memref<256x8xf32, #tpu.memory_space<vmem>>, vector<256x8xf32>
      %concatenate3A_463 = tpu.concatenate %get3A_462, %broadcast_in_dim3A_305, %broadcast_in_dim3A_325, %broadcast_in_dim3A_345, %broadcast_in_dim3A_365, %broadcast_in_dim3A_385, %broadcast_in_dim3A_405, %broadcast_in_dim3A_425, %broadcast_in_dim3A_445 in 1 : vector<256x8xf32>, vector<256x1xf32>, vector<256x1xf32>, vector<256x1xf32>, vector<256x1xf32>, vector<256x1xf32>, vector<256x1xf32>, vector<256x1xf32>, vector<256x1xf32> -> vector<256x16xf32>
      %get3A_464 = arith.constant 0 : index
      %get3A_465 = arith.constant 0 : index
      %get3A_466 = vector.load %arg8[%get3A_464, %get3A_465] : memref<256x8xi32, #tpu.memory_space<vmem>>, vector<256x8xi32>
      %concatenate3A_467 = tpu.concatenate %get3A_466, %broadcast_in_dim3A_313, %broadcast_in_dim3A_333, %broadcast_in_dim3A_353, %broadcast_in_dim3A_373, %broadcast_in_dim3A_393, %broadcast_in_dim3A_413, %broadcast_in_dim3A_433, %broadcast_in_dim3A_453 in 1 : vector<256x8xi32>, vector<256x1xi32>, vector<256x1xi32>, vector<256x1xi32>, vector<256x1xi32>, vector<256x1xi32>, vector<256x1xi32>, vector<256x1xi32>, vector<256x1xi32> -> vector<256x16xi32>
      %iota3A_468 = tpu.iota {dimensions = array<i32: 1>} : vector<256x16xi32>
      %reduce_min3A_469 = arith.constant dense<0x7F800000> : vector<256xf32>
      %reduce_min3A_470 = vector.multi_reduction <minimumf>, %concatenate3A_463, %reduce_min3A_469 [1] : vector<256x16xf32> to vector<256xf32>
      %broadcast_in_dim3A_471 = vector.shape_cast %reduce_min3A_470 : vector<256xf32> to vector<256x1xf32>
      %eq3A_472 = vector.broadcast %broadcast_in_dim3A_471 : vector<256x1xf32> to vector<256x16xf32>
      %eq3A_473 = arith.cmpf oeq, %concatenate3A_463, %eq3A_472 : vector<256x16xf32>
      %jit3A_474 = arith.constant 16 : i32
      %broadcast_in_dim3A_475 = vector.broadcast %jit3A_474 : i32 to vector<256x16xi32>
      %select_n3A_476 = arith.select %eq3A_473, %iota3A_468, %broadcast_in_dim3A_475 : vector<256x16xi1>, vector<256x16xi32>
      %reduce_min3A_477 = arith.constant dense<2147483647> : vector<256xi32>
      %reduce_min3A_478 = vector.multi_reduction <minsi>, %select_n3A_476, %reduce_min3A_477 [1] : vector<256x16xi32> to vector<256xi32>
      %broadcast_in_dim3A_479 = vector.shape_cast %reduce_min3A_478 : vector<256xi32> to vector<256x1xi32>
      %eq3A_480 = vector.broadcast %broadcast_in_dim3A_479 : vector<256x1xi32> to vector<256x16xi32>
      %eq3A_481 = arith.cmpi eq, %iota3A_468, %eq3A_480 : vector<256x16xi32>
      %jit3A_482 = arith.constant 2147483647 : i32
      %broadcast_in_dim3A_483 = vector.broadcast %jit3A_482 : i32 to vector<256x16xi32>
      %select_n3A_484 = arith.select %eq3A_481, %concatenate3A_467, %broadcast_in_dim3A_483 : vector<256x16xi1>, vector<256x16xi32>
      %reduce_min3A_485 = arith.constant dense<2147483647> : vector<256xi32>
      %reduce_min3A_486 = vector.multi_reduction <minsi>, %select_n3A_484, %reduce_min3A_485 [1] : vector<256x16xi32> to vector<256xi32>
      %broadcast_in_dim3A_487 = vector.shape_cast %reduce_min3A_486 : vector<256xi32> to vector<256x1xi32>
      %jit3A_488 = arith.constant 9.99999968E+37 : f32
      %broadcast_in_dim3A_489 = vector.broadcast %jit3A_488 : f32 to vector<256x16xf32>
      %select_n3A_490 = arith.select %eq3A_481, %broadcast_in_dim3A_489, %concatenate3A_463 : vector<256x16xi1>, vector<256x16xf32>
      %reduce_min3A_491 = arith.constant dense<0x7F800000> : vector<256xf32>
      %reduce_min3A_492 = vector.multi_reduction <minimumf>, %select_n3A_490, %reduce_min3A_491 [1] : vector<256x16xf32> to vector<256xf32>
      %broadcast_in_dim3A_493 = vector.shape_cast %reduce_min3A_492 : vector<256xf32> to vector<256x1xf32>
      %eq3A_494 = vector.broadcast %broadcast_in_dim3A_493 : vector<256x1xf32> to vector<256x16xf32>
      %eq3A_495 = arith.cmpf oeq, %select_n3A_490, %eq3A_494 : vector<256x16xf32>
      %jit3A_496 = arith.constant 16 : i32
      %broadcast_in_dim3A_497 = vector.broadcast %jit3A_496 : i32 to vector<256x16xi32>
      %select_n3A_498 = arith.select %eq3A_495, %iota3A_468, %broadcast_in_dim3A_497 : vector<256x16xi1>, vector<256x16xi32>
      %reduce_min3A_499 = arith.constant dense<2147483647> : vector<256xi32>
      %reduce_min3A_500 = vector.multi_reduction <minsi>, %select_n3A_498, %reduce_min3A_499 [1] : vector<256x16xi32> to vector<256xi32>
      %broadcast_in_dim3A_501 = vector.shape_cast %reduce_min3A_500 : vector<256xi32> to vector<256x1xi32>
      %eq3A_502 = vector.broadcast %broadcast_in_dim3A_501 : vector<256x1xi32> to vector<256x16xi32>
      %eq3A_503 = arith.cmpi eq, %iota3A_468, %eq3A_502 : vector<256x16xi32>
      %jit3A_504 = arith.constant 2147483647 : i32
      %broadcast_in_dim3A_505 = vector.broadcast %jit3A_504 : i32 to vector<256x16xi32>
      %select_n3A_506 = arith.select %eq3A_503, %concatenate3A_467, %broadcast_in_dim3A_505 : vector<256x16xi1>, vector<256x16xi32>
      %reduce_min3A_507 = arith.constant dense<2147483647> : vector<256xi32>
      %reduce_min3A_508 = vector.multi_reduction <minsi>, %select_n3A_506, %reduce_min3A_507 [1] : vector<256x16xi32> to vector<256xi32>
      %broadcast_in_dim3A_509 = vector.shape_cast %reduce_min3A_508 : vector<256xi32> to vector<256x1xi32>
      %jit3A_510 = arith.constant 9.99999968E+37 : f32
      %broadcast_in_dim3A_511 = vector.broadcast %jit3A_510 : f32 to vector<256x16xf32>
      %select_n3A_512 = arith.select %eq3A_503, %broadcast_in_dim3A_511, %select_n3A_490 : vector<256x16xi1>, vector<256x16xf32>
      %reduce_min3A_513 = arith.constant dense<0x7F800000> : vector<256xf32>
      %reduce_min3A_514 = vector.multi_reduction <minimumf>, %select_n3A_512, %reduce_min3A_513 [1] : vector<256x16xf32> to vector<256xf32>
      %broadcast_in_dim3A_515 = vector.shape_cast %reduce_min3A_514 : vector<256xf32> to vector<256x1xf32>
      %eq3A_516 = vector.broadcast %broadcast_in_dim3A_515 : vector<256x1xf32> to vector<256x16xf32>
      %eq3A_517 = arith.cmpf oeq, %select_n3A_512, %eq3A_516 : vector<256x16xf32>
      %jit3A_518 = arith.constant 16 : i32
      %broadcast_in_dim3A_519 = vector.broadcast %jit3A_518 : i32 to vector<256x16xi32>
      %select_n3A_520 = arith.select %eq3A_517, %iota3A_468, %broadcast_in_dim3A_519 : vector<256x16xi1>, vector<256x16xi32>
      %reduce_min3A_521 = arith.constant dense<2147483647> : vector<256xi32>
      %reduce_min3A_522 = vector.multi_reduction <minsi>, %select_n3A_520, %reduce_min3A_521 [1] : vector<256x16xi32> to vector<256xi32>
      %broadcast_in_dim3A_523 = vector.shape_cast %reduce_min3A_522 : vector<256xi32> to vector<256x1xi32>
      %eq3A_524 = vector.broadcast %broadcast_in_dim3A_523 : vector<256x1xi32> to vector<256x16xi32>
      %eq3A_525 = arith.cmpi eq, %iota3A_468, %eq3A_524 : vector<256x16xi32>
      %jit3A_526 = arith.constant 2147483647 : i32
      %broadcast_in_dim3A_527 = vector.broadcast %jit3A_526 : i32 to vector<256x16xi32>
      %select_n3A_528 = arith.select %eq3A_525, %concatenate3A_467, %broadcast_in_dim3A_527 : vector<256x16xi1>, vector<256x16xi32>
      %reduce_min3A_529 = arith.constant dense<2147483647> : vector<256xi32>
      %reduce_min3A_530 = vector.multi_reduction <minsi>, %select_n3A_528, %reduce_min3A_529 [1] : vector<256x16xi32> to vector<256xi32>
      %broadcast_in_dim3A_531 = vector.shape_cast %reduce_min3A_530 : vector<256xi32> to vector<256x1xi32>
      %jit3A_532 = arith.constant 9.99999968E+37 : f32
      %broadcast_in_dim3A_533 = vector.broadcast %jit3A_532 : f32 to vector<256x16xf32>
      %select_n3A_534 = arith.select %eq3A_525, %broadcast_in_dim3A_533, %select_n3A_512 : vector<256x16xi1>, vector<256x16xf32>
      %reduce_min3A_535 = arith.constant dense<0x7F800000> : vector<256xf32>
      %reduce_min3A_536 = vector.multi_reduction <minimumf>, %select_n3A_534, %reduce_min3A_535 [1] : vector<256x16xf32> to vector<256xf32>
      %broadcast_in_dim3A_537 = vector.shape_cast %reduce_min3A_536 : vector<256xf32> to vector<256x1xf32>
      %eq3A_538 = vector.broadcast %broadcast_in_dim3A_537 : vector<256x1xf32> to vector<256x16xf32>
      %eq3A_539 = arith.cmpf oeq, %select_n3A_534, %eq3A_538 : vector<256x16xf32>
      %jit3A_540 = arith.constant 16 : i32
      %broadcast_in_dim3A_541 = vector.broadcast %jit3A_540 : i32 to vector<256x16xi32>
      %select_n3A_542 = arith.select %eq3A_539, %iota3A_468, %broadcast_in_dim3A_541 : vector<256x16xi1>, vector<256x16xi32>
      %reduce_min3A_543 = arith.constant dense<2147483647> : vector<256xi32>
      %reduce_min3A_544 = vector.multi_reduction <minsi>, %select_n3A_542, %reduce_min3A_543 [1] : vector<256x16xi32> to vector<256xi32>
      %broadcast_in_dim3A_545 = vector.shape_cast %reduce_min3A_544 : vector<256xi32> to vector<256x1xi32>
      %eq3A_546 = vector.broadcast %broadcast_in_dim3A_545 : vector<256x1xi32> to vector<256x16xi32>
      %eq3A_547 = arith.cmpi eq, %iota3A_468, %eq3A_546 : vector<256x16xi32>
      %jit3A_548 = arith.constant 2147483647 : i32
      %broadcast_in_dim3A_549 = vector.broadcast %jit3A_548 : i32 to vector<256x16xi32>
      %select_n3A_550 = arith.select %eq3A_547, %concatenate3A_467, %broadcast_in_dim3A_549 : vector<256x16xi1>, vector<256x16xi32>
      %reduce_min3A_551 = arith.constant dense<2147483647> : vector<256xi32>
      %reduce_min3A_552 = vector.multi_reduction <minsi>, %select_n3A_550, %reduce_min3A_551 [1] : vector<256x16xi32> to vector<256xi32>
      %broadcast_in_dim3A_553 = vector.shape_cast %reduce_min3A_552 : vector<256xi32> to vector<256x1xi32>
      %jit3A_554 = arith.constant 9.99999968E+37 : f32
      %broadcast_in_dim3A_555 = vector.broadcast %jit3A_554 : f32 to vector<256x16xf32>
      %select_n3A_556 = arith.select %eq3A_547, %broadcast_in_dim3A_555, %select_n3A_534 : vector<256x16xi1>, vector<256x16xf32>
      %reduce_min3A_557 = arith.constant dense<0x7F800000> : vector<256xf32>
      %reduce_min3A_558 = vector.multi_reduction <minimumf>, %select_n3A_556, %reduce_min3A_557 [1] : vector<256x16xf32> to vector<256xf32>
      %broadcast_in_dim3A_559 = vector.shape_cast %reduce_min3A_558 : vector<256xf32> to vector<256x1xf32>
      %eq3A_560 = vector.broadcast %broadcast_in_dim3A_559 : vector<256x1xf32> to vector<256x16xf32>
      %eq3A_561 = arith.cmpf oeq, %select_n3A_556, %eq3A_560 : vector<256x16xf32>
      %jit3A_562 = arith.constant 16 : i32
      %broadcast_in_dim3A_563 = vector.broadcast %jit3A_562 : i32 to vector<256x16xi32>
      %select_n3A_564 = arith.select %eq3A_561, %iota3A_468, %broadcast_in_dim3A_563 : vector<256x16xi1>, vector<256x16xi32>
      %reduce_min3A_565 = arith.constant dense<2147483647> : vector<256xi32>
      %reduce_min3A_566 = vector.multi_reduction <minsi>, %select_n3A_564, %reduce_min3A_565 [1] : vector<256x16xi32> to vector<256xi32>
      %broadcast_in_dim3A_567 = vector.shape_cast %reduce_min3A_566 : vector<256xi32> to vector<256x1xi32>
      %eq3A_568 = vector.broadcast %broadcast_in_dim3A_567 : vector<256x1xi32> to vector<256x16xi32>
      %eq3A_569 = arith.cmpi eq, %iota3A_468, %eq3A_568 : vector<256x16xi32>
      %jit3A_570 = arith.constant 2147483647 : i32
      %broadcast_in_dim3A_571 = vector.broadcast %jit3A_570 : i32 to vector<256x16xi32>
      %select_n3A_572 = arith.select %eq3A_569, %concatenate3A_467, %broadcast_in_dim3A_571 : vector<256x16xi1>, vector<256x16xi32>
      %reduce_min3A_573 = arith.constant dense<2147483647> : vector<256xi32>
      %reduce_min3A_574 = vector.multi_reduction <minsi>, %select_n3A_572, %reduce_min3A_573 [1] : vector<256x16xi32> to vector<256xi32>
      %broadcast_in_dim3A_575 = vector.shape_cast %reduce_min3A_574 : vector<256xi32> to vector<256x1xi32>
      %jit3A_576 = arith.constant 9.99999968E+37 : f32
      %broadcast_in_dim3A_577 = vector.broadcast %jit3A_576 : f32 to vector<256x16xf32>
      %select_n3A_578 = arith.select %eq3A_569, %broadcast_in_dim3A_577, %select_n3A_556 : vector<256x16xi1>, vector<256x16xf32>
      %reduce_min3A_579 = arith.constant dense<0x7F800000> : vector<256xf32>
      %reduce_min3A_580 = vector.multi_reduction <minimumf>, %select_n3A_578, %reduce_min3A_579 [1] : vector<256x16xf32> to vector<256xf32>
      %broadcast_in_dim3A_581 = vector.shape_cast %reduce_min3A_580 : vector<256xf32> to vector<256x1xf32>
      %eq3A_582 = vector.broadcast %broadcast_in_dim3A_581 : vector<256x1xf32> to vector<256x16xf32>
      %eq3A_583 = arith.cmpf oeq, %select_n3A_578, %eq3A_582 : vector<256x16xf32>
      %jit3A_584 = arith.constant 16 : i32
      %broadcast_in_dim3A_585 = vector.broadcast %jit3A_584 : i32 to vector<256x16xi32>
      %select_n3A_586 = arith.select %eq3A_583, %iota3A_468, %broadcast_in_dim3A_585 : vector<256x16xi1>, vector<256x16xi32>
      %reduce_min3A_587 = arith.constant dense<2147483647> : vector<256xi32>
      %reduce_min3A_588 = vector.multi_reduction <minsi>, %select_n3A_586, %reduce_min3A_587 [1] : vector<256x16xi32> to vector<256xi32>
      %broadcast_in_dim3A_589 = vector.shape_cast %reduce_min3A_588 : vector<256xi32> to vector<256x1xi32>
      %eq3A_590 = vector.broadcast %broadcast_in_dim3A_589 : vector<256x1xi32> to vector<256x16xi32>
      %eq3A_591 = arith.cmpi eq, %iota3A_468, %eq3A_590 : vector<256x16xi32>
      %jit3A_592 = arith.constant 2147483647 : i32
      %broadcast_in_dim3A_593 = vector.broadcast %jit3A_592 : i32 to vector<256x16xi32>
      %select_n3A_594 = arith.select %eq3A_591, %concatenate3A_467, %broadcast_in_dim3A_593 : vector<256x16xi1>, vector<256x16xi32>
      %reduce_min3A_595 = arith.constant dense<2147483647> : vector<256xi32>
      %reduce_min3A_596 = vector.multi_reduction <minsi>, %select_n3A_594, %reduce_min3A_595 [1] : vector<256x16xi32> to vector<256xi32>
      %broadcast_in_dim3A_597 = vector.shape_cast %reduce_min3A_596 : vector<256xi32> to vector<256x1xi32>
      %jit3A_598 = arith.constant 9.99999968E+37 : f32
      %broadcast_in_dim3A_599 = vector.broadcast %jit3A_598 : f32 to vector<256x16xf32>
      %select_n3A_600 = arith.select %eq3A_591, %broadcast_in_dim3A_599, %select_n3A_578 : vector<256x16xi1>, vector<256x16xf32>
      %reduce_min3A_601 = arith.constant dense<0x7F800000> : vector<256xf32>
      %reduce_min3A_602 = vector.multi_reduction <minimumf>, %select_n3A_600, %reduce_min3A_601 [1] : vector<256x16xf32> to vector<256xf32>
      %broadcast_in_dim3A_603 = vector.shape_cast %reduce_min3A_602 : vector<256xf32> to vector<256x1xf32>
      %eq3A_604 = vector.broadcast %broadcast_in_dim3A_603 : vector<256x1xf32> to vector<256x16xf32>
      %eq3A_605 = arith.cmpf oeq, %select_n3A_600, %eq3A_604 : vector<256x16xf32>
      %jit3A_606 = arith.constant 16 : i32
      %broadcast_in_dim3A_607 = vector.broadcast %jit3A_606 : i32 to vector<256x16xi32>
      %select_n3A_608 = arith.select %eq3A_605, %iota3A_468, %broadcast_in_dim3A_607 : vector<256x16xi1>, vector<256x16xi32>
      %reduce_min3A_609 = arith.constant dense<2147483647> : vector<256xi32>
      %reduce_min3A_610 = vector.multi_reduction <minsi>, %select_n3A_608, %reduce_min3A_609 [1] : vector<256x16xi32> to vector<256xi32>
      %broadcast_in_dim3A_611 = vector.shape_cast %reduce_min3A_610 : vector<256xi32> to vector<256x1xi32>
      %eq3A_612 = vector.broadcast %broadcast_in_dim3A_611 : vector<256x1xi32> to vector<256x16xi32>
      %eq3A_613 = arith.cmpi eq, %iota3A_468, %eq3A_612 : vector<256x16xi32>
      %jit3A_614 = arith.constant 2147483647 : i32
      %broadcast_in_dim3A_615 = vector.broadcast %jit3A_614 : i32 to vector<256x16xi32>
      %select_n3A_616 = arith.select %eq3A_613, %concatenate3A_467, %broadcast_in_dim3A_615 : vector<256x16xi1>, vector<256x16xi32>
      %reduce_min3A_617 = arith.constant dense<2147483647> : vector<256xi32>
      %reduce_min3A_618 = vector.multi_reduction <minsi>, %select_n3A_616, %reduce_min3A_617 [1] : vector<256x16xi32> to vector<256xi32>
      %broadcast_in_dim3A_619 = vector.shape_cast %reduce_min3A_618 : vector<256xi32> to vector<256x1xi32>
      %jit3A_620 = arith.constant 9.99999968E+37 : f32
      %broadcast_in_dim3A_621 = vector.broadcast %jit3A_620 : f32 to vector<256x16xf32>
      %select_n3A_622 = arith.select %eq3A_613, %broadcast_in_dim3A_621, %select_n3A_600 : vector<256x16xi1>, vector<256x16xf32>
      %reduce_min3A_623 = arith.constant dense<0x7F800000> : vector<256xf32>
      %reduce_min3A_624 = vector.multi_reduction <minimumf>, %select_n3A_622, %reduce_min3A_623 [1] : vector<256x16xf32> to vector<256xf32>
      %broadcast_in_dim3A_625 = vector.shape_cast %reduce_min3A_624 : vector<256xf32> to vector<256x1xf32>
      %eq3A_626 = vector.broadcast %broadcast_in_dim3A_625 : vector<256x1xf32> to vector<256x16xf32>
      %eq3A_627 = arith.cmpf oeq, %select_n3A_622, %eq3A_626 : vector<256x16xf32>
      %jit3A_628 = arith.constant 16 : i32
      %broadcast_in_dim3A_629 = vector.broadcast %jit3A_628 : i32 to vector<256x16xi32>
      %select_n3A_630 = arith.select %eq3A_627, %iota3A_468, %broadcast_in_dim3A_629 : vector<256x16xi1>, vector<256x16xi32>
      %reduce_min3A_631 = arith.constant dense<2147483647> : vector<256xi32>
      %reduce_min3A_632 = vector.multi_reduction <minsi>, %select_n3A_630, %reduce_min3A_631 [1] : vector<256x16xi32> to vector<256xi32>
      %broadcast_in_dim3A_633 = vector.shape_cast %reduce_min3A_632 : vector<256xi32> to vector<256x1xi32>
      %eq3A_634 = vector.broadcast %broadcast_in_dim3A_633 : vector<256x1xi32> to vector<256x16xi32>
      %eq3A_635 = arith.cmpi eq, %iota3A_468, %eq3A_634 : vector<256x16xi32>
      %jit3A_636 = arith.constant 2147483647 : i32
      %broadcast_in_dim3A_637 = vector.broadcast %jit3A_636 : i32 to vector<256x16xi32>
      %select_n3A_638 = arith.select %eq3A_635, %concatenate3A_467, %broadcast_in_dim3A_637 : vector<256x16xi1>, vector<256x16xi32>
      %reduce_min3A_639 = arith.constant dense<2147483647> : vector<256xi32>
      %reduce_min3A_640 = vector.multi_reduction <minsi>, %select_n3A_638, %reduce_min3A_639 [1] : vector<256x16xi32> to vector<256xi32>
      %broadcast_in_dim3A_641 = vector.shape_cast %reduce_min3A_640 : vector<256xi32> to vector<256x1xi32>
      %jit3A_642 = arith.constant 9.99999968E+37 : f32
      %broadcast_in_dim3A_643 = vector.broadcast %jit3A_642 : f32 to vector<256x16xf32>
      %select_n3A_644 = arith.select %eq3A_635, %broadcast_in_dim3A_643, %select_n3A_622 : vector<256x16xi1>, vector<256x16xf32>
      %concatenate3A_645 = tpu.concatenate %broadcast_in_dim3A_471, %broadcast_in_dim3A_493, %broadcast_in_dim3A_515, %broadcast_in_dim3A_537, %broadcast_in_dim3A_559, %broadcast_in_dim3A_581, %broadcast_in_dim3A_603, %broadcast_in_dim3A_625 in 1 : vector<256x1xf32>, vector<256x1xf32>, vector<256x1xf32>, vector<256x1xf32>, vector<256x1xf32>, vector<256x1xf32>, vector<256x1xf32>, vector<256x1xf32> -> vector<256x8xf32>
      %swap3A_646 = arith.constant 0 : index
      %swap3A_647 = arith.constant 0 : index
      %swap3A_648 = vector.load %arg10[%swap3A_646, %swap3A_647] : memref<256x8xf32, #tpu.memory_space<vmem>>, vector<256x8xf32>
      tpu.vector_store %arg10[%swap3A_646, %swap3A_647], %concatenate3A_645 {strides = array<i32>} : memref<256x8xf32, #tpu.memory_space<vmem>>, vector<256x8xf32>,
      %concatenate3A_649 = tpu.concatenate %broadcast_in_dim3A_487, %broadcast_in_dim3A_509, %broadcast_in_dim3A_531, %broadcast_in_dim3A_553, %broadcast_in_dim3A_575, %broadcast_in_dim3A_597, %broadcast_in_dim3A_619, %broadcast_in_dim3A_641 in 1 : vector<256x1xi32>, vector<256x1xi32>, vector<256x1xi32>, vector<256x1xi32>, vector<256x1xi32>, vector<256x1xi32>, vector<256x1xi32>, vector<256x1xi32> -> vector<256x8xi32>
      %swap3A_650 = arith.constant 0 : index
      %swap3A_651 = arith.constant 0 : index
      %swap3A_652 = vector.load %arg8[%swap3A_650, %swap3A_651] : memref<256x8xi32, #tpu.memory_space<vmem>>, vector<256x8xi32>
      tpu.vector_store %arg8[%swap3A_650, %swap3A_651], %concatenate3A_649 {strides = array<i32>} : memref<256x8xi32, #tpu.memory_space<vmem>>, vector<256x8xi32>,
    }
    return
  }
  func.func @transform_0(%arg0: i32, %arg1: memref<32xi32, #tpu.memory_space<smem>>, %arg2: memref<32xi32, #tpu.memory_space<smem>>) -> (i32, i32, i32) {
    %c0_i32 = arith.constant 0 : i32
    %c0_i32_0 = arith.constant 0 : i32
    %c0_i32_1 = arith.constant 0 : i32
    %c0_i32_2 = arith.constant 0 : i32
    return %c0_i32, %c0_i32_0, %c0_i32_1 : i32, i32, i32
  }
  func.func @transform_1(%arg0: i32, %arg1: memref<32xi32, #tpu.memory_space<smem>>, %arg2: memref<32xi32, #tpu.memory_space<smem>>) -> (i32, i32, i32) {
    %c0_i32 = arith.constant 0 : i32
    %c0_i32_0 = arith.constant 0 : i32
    %c0_i32_1 = arith.constant 0 : i32
    %c0_i32_2 = arith.constant 0 : i32
    return %c0_i32, %c0_i32_0, %c0_i32_1 : i32, i32, i32
  }
  func.func @transform_2(%arg0: i32, %arg1: memref<32xi32, #tpu.memory_space<smem>>, %arg2: memref<32xi32, #tpu.memory_space<smem>>) -> (i32, i32) {
    %c0_i32 = arith.constant 0 : i32
    %c0_i32_0 = arith.constant 0 : i32
    return %arg0, %c0_i32 : i32, i32
  }
  func.func @transform_3(%arg0: i32, %arg1: memref<32xi32, #tpu.memory_space<smem>>, %arg2: memref<32xi32, #tpu.memory_space<smem>>) -> (i32, i32) {
    %c0_i32 = arith.constant 0 : i32
    %c0_i32_0 = arith.constant 0 : i32
    return %arg0, %c0_i32 : i32, i32
  }
  func.func @transform_4(%arg0: i32, %arg1: memref<32xi32, #tpu.memory_space<smem>>, %arg2: memref<32xi32, #tpu.memory_space<smem>>) -> (i32, i32) {
    %c0_i32 = arith.constant 0 : i32
    %c0_i32_0 = arith.constant 0 : i32
    return %arg0, %c0_i32 : i32, i32
  }
  func.func @transform_5(%arg0: i32, %arg1: memref<32xi32, #tpu.memory_space<smem>>, %arg2: memref<32xi32, #tpu.memory_space<smem>>) -> (i32, i32) {
    %c0_i32 = arith.constant 0 : i32
    %c0_i32_0 = arith.constant 0 : i32
    return %arg0, %c0_i32 : i32, i32
  }
}

module attributes {stable_mosaic.version = 14 : i64} {
  func.func @_mlp_body(%arg0: i32, %arg1: memref<4096x128xf32, #tpu.memory_space<vmem>>, %arg2: memref<512x3xf32, #tpu.memory_space<vmem>>, %arg3: memref<128x64xf32, #tpu.memory_space<vmem>>, %arg4: memref<1x64xf32, #tpu.memory_space<vmem>>, %arg5: memref<64x64xf32, #tpu.memory_space<vmem>>, %arg6: memref<1x64xf32, #tpu.memory_space<vmem>>, %arg7: memref<128x64xf32, #tpu.memory_space<vmem>>, %arg8: memref<64x64xf32, #tpu.memory_space<vmem>>, %arg9: memref<1x64xf32, #tpu.memory_space<vmem>>, %arg10: memref<64x64xf32, #tpu.memory_space<vmem>>, %arg11: memref<1x64xf32, #tpu.memory_space<vmem>>, %arg12: memref<512x64xf32, #tpu.memory_space<vmem>>) attributes {dimension_semantics = [#tpu.dimension_semantics<arbitrary>], iteration_bounds = array<i64: 16>, scalar_prefetch = 0 : i64, scratch_operands = 0 : i64, tpu.core_type = #tpu.core_type<tc>, window_params = [{transform_indices = @transform_0, window_bounds = array<i64: 4096, 128>}, {transform_indices = @transform_1, window_bounds = array<i64: 512, 3>}, {pipeline_mode = #tpu.pipeline_mode<synchronous>, transform_indices = @transform_2, window_bounds = array<i64: 128, 64>}, {pipeline_mode = #tpu.pipeline_mode<synchronous>, transform_indices = @transform_3, window_bounds = array<i64: 1, 64>}, {pipeline_mode = #tpu.pipeline_mode<synchronous>, transform_indices = @transform_4, window_bounds = array<i64: 64, 64>}, {pipeline_mode = #tpu.pipeline_mode<synchronous>, transform_indices = @transform_5, window_bounds = array<i64: 1, 64>}, {pipeline_mode = #tpu.pipeline_mode<synchronous>, transform_indices = @transform_6, window_bounds = array<i64: 128, 64>}, {pipeline_mode = #tpu.pipeline_mode<synchronous>, transform_indices = @transform_7, window_bounds = array<i64: 64, 64>}, {pipeline_mode = #tpu.pipeline_mode<synchronous>, transform_indices = @transform_8, window_bounds = array<i64: 1, 64>}, {pipeline_mode = #tpu.pipeline_mode<synchronous>, transform_indices = @transform_9, window_bounds = array<i64: 64, 64>}, {pipeline_mode = #tpu.pipeline_mode<synchronous>, transform_indices = @transform_10, window_bounds = array<i64: 1, 64>}, {transform_indices = @transform_11, window_bounds = array<i64: 512, 64>}]} {
    %get3A = arith.constant 0 : index
    %get3A_0 = arith.constant 0 : index
    %get3A_1 = vector.load %arg1[%get3A, %get3A_0] : memref<4096x128xf32, #tpu.memory_space<vmem>>, vector<4096x128xf32>
    %get3A_2 = arith.constant 0 : index
    %get3A_3 = arith.constant 0 : index
    %get3A_4 = vector.load %arg2[%get3A_2, %get3A_3] : memref<512x3xf32, #tpu.memory_space<vmem>>, vector<512x3xf32>
    %broadcast_in_dim3A = vector.shape_cast %get3A_4 : vector<512x3xf32> to vector<512x1x3xf32>
    %broadcast_in_dim3A_5 = vector.shape_cast %broadcast_in_dim3A : vector<512x1x3xf32> to vector<512x1x3xf32>
    %broadcast_in_dim3A_6 = vector.broadcast %broadcast_in_dim3A_5 : vector<512x1x3xf32> to vector<512x8x3xf32>
    %reshape3A = vector.shape_cast %broadcast_in_dim3A_6 : vector<512x8x3xf32> to vector<4096x3xf32>
    %slice3A = vector.extract_strided_slice %get3A_1 {offsets = [0, 0], sizes = [4096, 64], strides = [1, 1]} : vector<4096x128xf32> to vector<4096x64xf32>
    %slice3A_7 = vector.extract_strided_slice %get3A_1 {offsets = [0, 64], sizes = [4096, 3], strides = [1, 1]} : vector<4096x128xf32> to vector<4096x3xf32>
    %sub3A = arith.subf %slice3A_7, %reshape3A : vector<4096x3xf32>
    %slice3A_8 = vector.extract_strided_slice %get3A_1 {offsets = [0, 67], sizes = [4096, 61], strides = [1, 1]} : vector<4096x128xf32> to vector<4096x61xf32>
    %concatenate3A = tpu.concatenate %slice3A, %sub3A, %slice3A_8 in 1 : vector<4096x64xf32>, vector<4096x3xf32>, vector<4096x61xf32> -> vector<4096x128xf32>
    %max3A = arith.constant 0.000000e+00 : f32
    %max3A_9 = vector.broadcast %max3A : f32 to vector<4096x128xf32>
    %max3A_10 = arith.maximumf %concatenate3A, %max3A_9 : vector<4096x128xf32>
    %get3A_11 = arith.constant 0 : index
    %get3A_12 = arith.constant 0 : index
    %get3A_13 = vector.load %arg3[%get3A_11, %get3A_12] : memref<128x64xf32, #tpu.memory_space<vmem>>, vector<128x64xf32>
    %dot_general3A = arith.constant dense<0.000000e+00> : vector<4096x64xf32>
    %dot_general3A_14 = tpu.matmul %max3A_10, %get3A_13, %dot_general3A {dimension_numbers = #tpu.dot_dimension_numbers<[1], [0], [0], [1], [0, 0, 1, 1], [], []>, transpose_lhs_hint = false} : vector<4096x128xf32>, vector<128x64xf32>, vector<4096x64xf32> -> vector<4096x64xf32>
    %get3A_15 = arith.constant 0 : index
    %get3A_16 = arith.constant 0 : index
    %get3A_17 = vector.load %arg4[%get3A_15, %get3A_16] : memref<1x64xf32, #tpu.memory_space<vmem>>, vector<1x64xf32>
    %add3A = vector.broadcast %get3A_17 : vector<1x64xf32> to vector<4096x64xf32>
    %add3A_18 = arith.addf %dot_general3A_14, %add3A : vector<4096x64xf32>
    %max3A_19 = arith.constant 0.000000e+00 : f32
    %max3A_20 = vector.broadcast %max3A_19 : f32 to vector<4096x64xf32>
    %max3A_21 = arith.maximumf %add3A_18, %max3A_20 : vector<4096x64xf32>
    %get3A_22 = arith.constant 0 : index
    %get3A_23 = arith.constant 0 : index
    %get3A_24 = vector.load %arg5[%get3A_22, %get3A_23] : memref<64x64xf32, #tpu.memory_space<vmem>>, vector<64x64xf32>
    %dot_general3A_25 = arith.constant dense<0.000000e+00> : vector<4096x64xf32>
    %dot_general3A_26 = tpu.matmul %max3A_21, %get3A_24, %dot_general3A_25 {dimension_numbers = #tpu.dot_dimension_numbers<[1], [0], [0], [1], [0, 0, 1, 1], [], []>, transpose_lhs_hint = false} : vector<4096x64xf32>, vector<64x64xf32>, vector<4096x64xf32> -> vector<4096x64xf32>
    %get3A_27 = arith.constant 0 : index
    %get3A_28 = arith.constant 0 : index
    %get3A_29 = vector.load %arg6[%get3A_27, %get3A_28] : memref<1x64xf32, #tpu.memory_space<vmem>>, vector<1x64xf32>
    %add3A_30 = vector.broadcast %get3A_29 : vector<1x64xf32> to vector<4096x64xf32>
    %add3A_31 = arith.addf %dot_general3A_26, %add3A_30 : vector<4096x64xf32>
    %get3A_32 = arith.constant 0 : index
    %get3A_33 = arith.constant 0 : index
    %get3A_34 = vector.load %arg7[%get3A_32, %get3A_33] : memref<128x64xf32, #tpu.memory_space<vmem>>, vector<128x64xf32>
    %dot_general3A_35 = arith.constant dense<0.000000e+00> : vector<4096x64xf32>
    %dot_general3A_36 = tpu.matmul %concatenate3A, %get3A_34, %dot_general3A_35 {dimension_numbers = #tpu.dot_dimension_numbers<[1], [0], [0], [1], [0, 0, 1, 1], [], []>, transpose_lhs_hint = false} : vector<4096x128xf32>, vector<128x64xf32>, vector<4096x64xf32> -> vector<4096x64xf32>
    %add3A_37 = arith.addf %dot_general3A_36, %add3A_31 : vector<4096x64xf32>
    %max3A_38 = arith.constant 0.000000e+00 : f32
    %max3A_39 = vector.broadcast %max3A_38 : f32 to vector<4096x64xf32>
    %max3A_40 = arith.maximumf %add3A_37, %max3A_39 : vector<4096x64xf32>
    %get3A_41 = arith.constant 0 : index
    %get3A_42 = arith.constant 0 : index
    %get3A_43 = vector.load %arg8[%get3A_41, %get3A_42] : memref<64x64xf32, #tpu.memory_space<vmem>>, vector<64x64xf32>
    %dot_general3A_44 = arith.constant dense<0.000000e+00> : vector<4096x64xf32>
    %dot_general3A_45 = tpu.matmul %max3A_40, %get3A_43, %dot_general3A_44 {dimension_numbers = #tpu.dot_dimension_numbers<[1], [0], [0], [1], [0, 0, 1, 1], [], []>, transpose_lhs_hint = false} : vector<4096x64xf32>, vector<64x64xf32>, vector<4096x64xf32> -> vector<4096x64xf32>
    %get3A_46 = arith.constant 0 : index
    %get3A_47 = arith.constant 0 : index
    %get3A_48 = vector.load %arg9[%get3A_46, %get3A_47] : memref<1x64xf32, #tpu.memory_space<vmem>>, vector<1x64xf32>
    %add3A_49 = vector.broadcast %get3A_48 : vector<1x64xf32> to vector<4096x64xf32>
    %add3A_50 = arith.addf %dot_general3A_45, %add3A_49 : vector<4096x64xf32>
    %max3A_51 = arith.constant 0.000000e+00 : f32
    %max3A_52 = vector.broadcast %max3A_51 : f32 to vector<4096x64xf32>
    %max3A_53 = arith.maximumf %add3A_50, %max3A_52 : vector<4096x64xf32>
    %get3A_54 = arith.constant 0 : index
    %get3A_55 = arith.constant 0 : index
    %get3A_56 = vector.load %arg10[%get3A_54, %get3A_55] : memref<64x64xf32, #tpu.memory_space<vmem>>, vector<64x64xf32>
    %dot_general3A_57 = arith.constant dense<0.000000e+00> : vector<4096x64xf32>
    %dot_general3A_58 = tpu.matmul %max3A_53, %get3A_56, %dot_general3A_57 {dimension_numbers = #tpu.dot_dimension_numbers<[1], [0], [0], [1], [0, 0, 1, 1], [], []>, transpose_lhs_hint = false} : vector<4096x64xf32>, vector<64x64xf32>, vector<4096x64xf32> -> vector<4096x64xf32>
    %get3A_59 = arith.constant 0 : index
    %get3A_60 = arith.constant 0 : index
    %get3A_61 = vector.load %arg11[%get3A_59, %get3A_60] : memref<1x64xf32, #tpu.memory_space<vmem>>, vector<1x64xf32>
    %add3A_62 = vector.broadcast %get3A_61 : vector<1x64xf32> to vector<4096x64xf32>
    %add3A_63 = arith.addf %dot_general3A_58, %add3A_62 : vector<4096x64xf32>
    %add3A_64 = arith.addf %add3A_37, %add3A_63 : vector<4096x64xf32>
    %reshape3A_65 = vector.shape_cast %add3A_64 : vector<4096x64xf32> to vector<512x8x64xf32>
    %reduce_max3A = arith.constant dense<0xFF800000> : vector<512x64xf32>
    %reduce_max3A_66 = vector.multi_reduction <maximumf>, %reshape3A_65, %reduce_max3A [1] : vector<512x8x64xf32> to vector<512x64xf32>
    %swap3A = arith.constant 0 : index
    %swap3A_67 = arith.constant 0 : index
    %swap3A_68 = vector.load %arg12[%swap3A, %swap3A_67] : memref<512x64xf32, #tpu.memory_space<vmem>>, vector<512x64xf32>
    tpu.vector_store %arg12[%swap3A, %swap3A_67], %reduce_max3A_66 {strides = array<i32>} : memref<512x64xf32, #tpu.memory_space<vmem>>, vector<512x64xf32>,
    return
  }
  func.func @transform_0(%arg0: i32) -> (i32, i32) {
    %c0_i32 = arith.constant 0 : i32
    %c0_i32_0 = arith.constant 0 : i32
    return %arg0, %c0_i32 : i32, i32
  }
  func.func @transform_1(%arg0: i32) -> (i32, i32) {
    %c0_i32 = arith.constant 0 : i32
    %c0_i32_0 = arith.constant 0 : i32
    return %arg0, %c0_i32 : i32, i32
  }
  func.func @transform_2(%arg0: i32) -> (i32, i32) {
    %c0_i32 = arith.constant 0 : i32
    %c0_i32_0 = arith.constant 0 : i32
    %c0_i32_1 = arith.constant 0 : i32
    return %c0_i32, %c0_i32_0 : i32, i32
  }
  func.func @transform_3(%arg0: i32) -> (i32, i32) {
    %c0_i32 = arith.constant 0 : i32
    %c0_i32_0 = arith.constant 0 : i32
    %c0_i32_1 = arith.constant 0 : i32
    return %c0_i32, %c0_i32_0 : i32, i32
  }
  func.func @transform_4(%arg0: i32) -> (i32, i32) {
    %c0_i32 = arith.constant 0 : i32
    %c0_i32_0 = arith.constant 0 : i32
    %c0_i32_1 = arith.constant 0 : i32
    return %c0_i32, %c0_i32_0 : i32, i32
  }
  func.func @transform_5(%arg0: i32) -> (i32, i32) {
    %c0_i32 = arith.constant 0 : i32
    %c0_i32_0 = arith.constant 0 : i32
    %c0_i32_1 = arith.constant 0 : i32
    return %c0_i32, %c0_i32_0 : i32, i32
  }
  func.func @transform_6(%arg0: i32) -> (i32, i32) {
    %c0_i32 = arith.constant 0 : i32
    %c0_i32_0 = arith.constant 0 : i32
    %c0_i32_1 = arith.constant 0 : i32
    return %c0_i32, %c0_i32_0 : i32, i32
  }
  func.func @transform_7(%arg0: i32) -> (i32, i32) {
    %c0_i32 = arith.constant 0 : i32
    %c0_i32_0 = arith.constant 0 : i32
    %c0_i32_1 = arith.constant 0 : i32
    return %c0_i32, %c0_i32_0 : i32, i32
  }
  func.func @transform_8(%arg0: i32) -> (i32, i32) {
    %c0_i32 = arith.constant 0 : i32
    %c0_i32_0 = arith.constant 0 : i32
    %c0_i32_1 = arith.constant 0 : i32
    return %c0_i32, %c0_i32_0 : i32, i32
  }
  func.func @transform_9(%arg0: i32) -> (i32, i32) {
    %c0_i32 = arith.constant 0 : i32
    %c0_i32_0 = arith.constant 0 : i32
    %c0_i32_1 = arith.constant 0 : i32
    return %c0_i32, %c0_i32_0 : i32, i32
  }
  func.func @transform_10(%arg0: i32) -> (i32, i32) {
    %c0_i32 = arith.constant 0 : i32
    %c0_i32_0 = arith.constant 0 : i32
    %c0_i32_1 = arith.constant 0 : i32
    return %c0_i32, %c0_i32_0 : i32, i32
  }
  func.func @transform_11(%arg0: i32) -> (i32, i32) {
    %c0_i32 = arith.constant 0 : i32
    %c0_i32_0 = arith.constant 0 : i32
    return %arg0, %c0_i32 : i32, i32
  }
}

</mosaic_0001>

<sc_bundles>
// kernel: kernel.5.cloned.1.call-start
scs
__scs_entry_jumppad:
0x0: {  	(pc) =	sbr.rel $0x88, $3  }
0x1: {  	(tag) =	ssettag $0x0;
	lr =	simm.s32 $0x1  }
0x2: {  	[smem:$0x3F93] =	sst lr;
	_ =	strace $0xD0000000  }
0x3: {  	_ = 	snop  }
0x4: {  	_ = 	snop  }
0x5: {  	_ = 	snop  }
0x6: {  	_ = 	snop  }
0x7: {  	_ = 	snop  }
__scs_overlays_trampoline_lowered:
0x8: {  	[smem:$0x3FA2] =	sst s0  }
0x9: {  	[smem:$0x3FA3] =	sst s1  }
0xa: {  	[smem:$0x3FA4] =	sst s2  }
0xb: {  	[smem:$0x3FA5] =	sst s3  }
0xc: {  	[smem:$0x3FA6] =	sst s4  }
0xd: {  	[smem:$0x3FA7] =	sst s5  }
0xe: {  	[smem:$0x3FA8] =	sst s6  }
0xf: {  	[smem:$0x3FA9] =	sst s7  }
0x10: {  	[smem:$0x3FAA] =	sst s8  }
0x11: {  	[smem:$0x3FAB] =	sst s9;
	s0 =	simm.s32 @!p0 $0x0  }
0x12: {  	s1 =	sld [smem:$0x3F91];
	s0 =	simm.s32 @p0 $0x1  }
0x13: {  	[smem:$0x3FAC] =	sst s0;
	s0 =	simm.s32 @!p1 $0x0  }
0x14: {  	s2 =	sld [smem:$0x3F90];
	s0 =	simm.s32 @p1 $0x1  }
0x15: {  	[smem:$0x3FAD] =	sst s0;
	s0 =	simm.s32 @!p2 $0x0  }
0x16: {  	s3 =	sld [smem:$0x3FDB];
	s0 =	simm.s32 @p2 $0x1  }
0x17: {  	s4 =	simm.s32 $0x1BF5;
	[smem:$0x3FAF] =	sst s0  }
0x18: {  	s0 =	sld [smem:$0x3F92];
	_ =	swait.ge [sflag:s4], $0x0  }
0x19: {  	s7 =	sld [smem:$0x3F93]  }
0x1a: {  	s8 =	sadd.s32 $0xFFFFE003, lr  }
0x1b: {  	s9 =	sadd.s32 $0xFFFFFEF7, lr;
	s5 =	simm.s32 $0xFFFFFFFF;
	p2 =	slt.u32 s8, $0xFFFFF086  }
0x1c: {  	p1 =	slt.u32 s9, $0xF7A;
	s5 =	simm.s32 @!p2 $0x0  }
0x1d: {  	s5 =	simm.s32 @p1 $0x1;
	p0 =	seq.s32 s7, s2  }
0x1e: {  	s7 =	smul.u32 @!p0 $0xF7A, s2;
	p2 =	seq.s32 @!p0 s5, $0x0  }
0x1f: {  	s9 =	smul.u32 $0xF7A, s1;
	s8 =	simm.s32 @!p0 $0x1BF5;
	p2 =	por !p2, p0  }
0x20: {  	[sflag:s8] =	ssyncset.s32 @!p0 $0xFFFFF086;
	s6 =	sadd.s32 @!p0 s3, s7;
	s7 =	simm.s32 @!p0 $0x108  }
0x21: {  	s3 =	sadd.s32 s3, s9;
	s6 =	sadd.s32 @!p0 $0x88, s6;
	s7 =	simm.s32 @p2 $0x1082  }
0x22: {  	[simem:s7], [sflag:s8] =	dma.local @!p0 [hbm:s6], $0xF7A  }
0x23: {  	s9 =	sor.u32 $0xD0000000, s2;
	s6 =	simm.s32 $0x108;
	_ =	swait.ge @!p0 [sflag:s8], $0x0  }
0x24: {  	s3 =	sadd.s32 $0x88, s3;
	s6 =	simm.s32 @!p1 $0x1082;
	[sflag:s4] =	ssyncset.s32 $0xFFFFF086  }
0x25: {  	[simem:s6], [sflag:s4] =	dma.local [hbm:s3], $0xF7A  }
0x26: {  	[smem:$0x3F93] =	sst s1;
	(tag) =	ssettag s2;
	_ =	strace s9  }
0x27: {  	s1 =	sld [smem:$0x3FA3]  }
0x28: {  	s2 =	sld [smem:$0x3FA4]  }
0x29: {  	s4 =	sld [smem:$0x3FA6]  }
0x2a: {  	p0 =	seq.s32 s5, $0x0;
	s5 =	sld [smem:$0x3FA7]  }
0x2b: {  	s6 =	sld [smem:$0x3FA8]  }
0x2c: {  	s7 =	sld [smem:$0x3FA9]  }
0x2d: {  	s3 =	simm.s32 $0x108;
	s8 =	sld [smem:$0x3FAA]  }
0x2e: {  	s3 =	simm.s32 @!p0 $0x1082;
	s9 =	sld [smem:$0x3FAB]  }
0x2f: {  	lr =	sadd.s32 s0, s3;
	s0 =	sld [smem:$0x3FA2]  }
0x30: {  	s3 =	sld [smem:$0x3FA5]  }
0x31: {  	[smem:$0x3FAE] =	sst s10  }
0x32: {  	s10 =	sld [smem:$0x3FAC];
	_ =	sdelay $0x3  }
0x33: {  	p0 =	seq.s32 s10, $0x1;
	s10 =	sld [smem:$0x3FAE];
	_ =	sdelay $0x3  }
0x34: {  	[smem:$0x3FAE] =	sst s10  }
0x35: {  	s10 =	sld [smem:$0x3FAD];
	_ =	sdelay $0x3  }
0x36: {  	p1 =	seq.s32 s10, $0x1;
	s10 =	sld [smem:$0x3FAE];
	_ =	sdelay $0x3  }
0x37: {  	[smem:$0x3FAE] =	sst s10  }
0x38: {  	s10 =	sld [smem:$0x3FAF]  }
0x39: {  	_ = 	snop;
	(pc) =	sbr.ind lr, $3  }
0x3a: {  	_ = 	snop  }
0x3b: {  	_ = 	snop  }
0x3c: {  	p2 =	seq.s32 s10, $0x1;
	s10 =	sld [smem:$0x3FAE]  }
0x3d: {  	_ =	shalt  }
0x3e: {  	_ =	shalt  }
0x3f: {  	_ =	shalt  }
0x40: {  	_ =	shalt  }
0x41: {  	_ =	shalt  }
0x42: {  	_ =	shalt  }
0x43: {  	_ =	shalt  }
0x44: {  	_ =	shalt  }
0x45: {  	_ =	shalt  }
0x46: {  	_ =	shalt  }
0x47: {  	_ =	shalt  }
0x48: {  	_ =	shalt  }
0x49: {  	_ =	shalt  }
0x4a: {  	_ =	shalt  }
0x4b: {  	_ =	shalt  }
0x4c: {  	_ =	shalt  }
0x4d: {  	_ =	shalt  }
0x4e: {  	_ =	shalt  }
0x4f: {  	_ =	shalt  }
0x50: {  	_ =	shalt  }
0x51: {  	_ =	shalt  }
0x52: {  	_ =	shalt  }
0x53: {  	_ =	shalt  }
0x54: {  	_ =	shalt  }
0x55: {  	_ =	shalt  }
0x56: {  	_ =	shalt  }
0x57: {  	_ =	shalt  }
0x58: {  	_ =	shalt  }
0x59: {  	_ =	shalt  }
0x5a: {  	_ =	shalt  }
0x5b: {  	_ =	shalt  }
0x5c: {  	_ =	shalt  }
0x5d: {  	_ =	shalt  }
0x5e: {  	_ =	shalt  }
0x5f: {  	_ =	shalt  }
0x60: {  	_ =	shalt  }
0x61: {  	_ =	shalt  }
0x62: {  	_ =	shalt  }
0x63: {  	_ =	shalt  }
0x64: {  	_ =	shalt  }
0x65: {  	_ =	shalt  }
0x66: {  	_ =	shalt  }
0x67: {  	_ =	shalt  }
0x68: {  	_ =	shalt  }
0x69: {  	_ =	shalt  }
0x6a: {  	_ =	shalt  }
0x6b: {  	_ =	shalt  }
0x6c: {  	_ =	shalt  }
0x6d: {  	_ =	shalt  }
0x6e: {  	_ =	shalt  }
0x6f: {  	_ =	shalt  }
0x70: {  	_ =	shalt  }
0x71: {  	_ =	shalt  }
0x72: {  	_ =	shalt  }
0x73: {  	_ =	shalt  }
0x74: {  	_ =	shalt  }
0x75: {  	_ =	shalt  }
0x76: {  	_ =	shalt  }
0x77: {  	_ =	shalt  }
0x78: {  	_ =	shalt  }
0x79: {  	_ =	shalt  }
0x7a: {  	_ =	shalt  }
0x7b: {  	_ =	shalt  }
0x7c: {  	_ =	shalt  }
0x7d: {  	_ =	shalt  }
0x7e: {  	_ =	shalt  }
0x7f: {  	_ =	shalt  }
0x80: {  	_ =	shalt  }
0x81: {  	_ =	shalt  }
0x82: {  	_ =	shalt  }
0x83: {  	_ =	shalt  }
0x84: {  	_ =	shalt  }
0x85: {  	_ =	shalt  }
0x86: {  	_ =	shalt  }
0x87: {  	_ =	shalt  }
.Lfunc_end0:
.L_simem_size_0:
called_computation_lowered:
.L_overlay_start_0:
0x88: {  	s2 =	sld [smem:$0x3FD9]  }
0x89: {  	s3 =	sld [smem:$0x3FFE];
	_ =	sdelay $0x1  }
0x8a: {  	s1 =	srdreg.scid  }
0x8b: {  	s0 =	sand.u32 $0x1, s1  }
0x8c: {  	s17 =	sshll.u32 s0, $0xA;
	s2 =	sadd.s32 s3, s2  }
0x8d: {  	s2 =	sadd.s32 s2, s17  }
0x8e: {  	[smem:$0x3FBA] =	sst s2  }
0x8f: {  	_ = 	snop  }
0x90: {  	s2 =	sld [smem:$0x3FD0];
	(tm) =	ssettm $0x1  }
0x91: {  	s18 =	sld [smem:$0x3FFB];
	_ =	sdelay $0x3  }
0x92: {  	_ =	strace s18  }
0x93: {  	s3 =	sld [smem:$0x3FFC];
	_ =	sdelay $0x3  }
0x94: {  	_ =	strace s3  }
0x95: {  	s3 =	sld [smem:$0x3FFD];
	_ =	sdelay $0x3  }
0x96: {  	_ =	strace s3  }
0x97: {  	_ =	strace $0x8FFFFFFF  }
0x98: {  	s19 =	sld [smem:$0x3FDB];
	_ =	sdelay $0x1  }
0x99: {  	s4 =	simm.s32 $_scs_section_size  }
0x9a: {  	s5 =	simm.s32 $_size__tile_overlayer_lowered;
	s6 =	simm.s32 $_tile_overlayer_lowered  }
0x9b: {  	s22 =	simm.s32 $0x1BFF;
	s21 =	sshll.u32 s6, $0x1;
	s3 =	sadd.s32 s4, s19  }
0x9c: {  	s7 =	simm.s32 $0x0;
	s20 =	sshll.u32 s5, $0x1;
	s5 =	sadd.s32 s21, s3  }
0x9d: {  	[timem:s7], [sflag:s22] =	dma.local [hbm:s5], s20  }
0x9e: {  	_ =	swait.ge [sflag:s22], s20  }
0x9f: {  	s4 =	ssub.s32 $0x0, s20;
	[sflag:s22] =	ssyncset.done $0x0  }
0xa0: {  	[sflag:s22] =	ssyncadd.s32 s4;
	_ =	sdelay $0x1  }
0xa1: {  	s23 =	simm.s32 $0x1B8B  }
0xa2: {  	_ =	swait.ge [sflag:s23], $0x1  }
0xa3: {  	[sflag:s23] =	ssyncset.done $0x0  }
0xa4: {  	s25 =	simm.s32 $0x1B8E;
	s24 =	sld [smem:$0x3FFE];
	[sflag:s23] =	ssyncadd.s32 $0xFFFFFFFF  }
0xa5: {  	s26 =	simm.s32 $execute0_lowered;
	[smem:$0x3FD2] =	sst s25  }
0xa6: {  	s5 =	sshll.u32 s26, $0x1;
	_ =	strace $0x80000046;
	[dreg:$0x1] =	wrdreg $0xFFFFFFFF  }
0xa7: {  	s28 =	simm.s32 $_size_execute0_lowered;
	s3 =	sadd.s32 s3, s5;
	[dreg:$0x0] =	wrdreg $0x0  }
0xa8: {  	s5 =	sshll.u32 s28, $0x1;
	[dreg:$0x2] =	wrdreg s3  }
0xa9: {  	[dreg:$0x3] =	wrdreg s5  }
0xaa: {  	[dreg:$0x4] =	wrdreg $0xC0  }
0xab: {  	_ =	task [dreg:s7], $0x5FFFF  }
0xac: {  	[dreg:$0x1] =	wrdreg $0xFFFFFFFF  }
0xad: {  	[dreg:$0x0] =	wrdreg $0x60  }
0xae: {  	[dreg:$0x2] =	wrdreg s2  }
0xaf: {  	[dreg:$0x3] =	wrdreg s24  }
0xb0: {  	[dreg:$0x4] =	wrdreg $0x9  }
0xb1: {  	_ =	task.clear_ibuf [dreg:s7], $0x5FFFF;
	_ =	strace $0x90000046  }
0xb2: {  	s29 =	simm.s32 $0x9;
	_ =	strace $0x80000048  }
0xb3: {  	_ =	swait.ge [sflag:s29], $0x1  }
0xb4: {  	[sflag:s29] =	ssyncadd.s32 $0xFFFFFFFF  }
0xb5: {  	_ =	strace $0x90000048  }
0xb6: {  	_ =	sfence  }
0xb7: {  	s30 =	sld [smem:$0x0];
	_ =	sdelay $0x2  }
0xb8: {  	s31 =	sshll.u32 s1, $0xD;
	s1 =	sshrl.u32 s1, $0x2  }
0xb9: {  	s3 =	sand.u32 $0x4000, s31;
	s1 =	sadd.s32 s1, s30  }
0xba: {  	s0 =	sor.u32 s3, s0;
	s1 =	sshll.u32 s1, $0x11  }
0xbb: {  	s0 =	sor.u32 s1, s0  }
0xbc: {  	s0 =	sadd.s32 $0x8F2B, s0  }
0xbd: {  	[sflag:s0] =	ssyncadd.remote.s32 $0x1  }
0xbe: {  	_ =	sfence.sel $0xFFFF  }
0xbf: {  	[dreg:$0x0] =	wrdreg $0xFFFFFFFF;
	(pc) =	sbr.abs _section_cstart, $3  }
0xc0: {  	[dreg:$0x1] =	wrdreg $0xFFFFFFFF  }
0xc1: {  	_ =	task.clear_ibuf [dreg:s7], $0x2FFFF;
	_ =	strace $0x9FFFFFFF  }
0xc2: {  	(tm) =	ssettm $0x7FFFFFFF  }
0xc3: {  	_ =	shalt  }
tec
execute0_lowered:
.L_overlay_start_1:
0x0: {  	(tag) =	ssettag $0x1  }
0x1: {  	s1 =	srdreg.scid  }
0x2: {  	s13 =	rddreg [dreg:$0x0];
	s0 =	stileid.u32;
	s14 =	sand.u32 $0x1, s1  }
0x3: {  	s8 =	rddreg [dreg:$0x1];
	s3 =	sshll.u32 s0, $0xC;
	s4 =	sshll.u32 s14, $0xB  }
0x4: {  	s2 =	simm.s32 $0x0;
	s1 =	rddreg [dreg:$0x2];
	s15 =	sor.u32 s4, s3  }
0x5: {  	[smem:$0x7FF] =	sst s2;
	s3 =	sshrl.u32 s15, $0x3  }
0x6: {  	_ =	strace $0x80000047;
	s4 =	sadd.s32 s13, s3;
	s3 =	simm.s32 $0x2  }
0x7: {  	[tilespmem:s2], [sflag:$0x2] =	stream.linear.gather [hbm4b:s4+s2], $0x200, $0x38;
	[tilespmem:$0x10200] =	vst v63  }
0x8: {  	_ =	swait.ge [sflag:s3], $0x200  }
0x9: {  	s6 =	simm.s32 $0x200;
	[sflag:s3] =	ssyncset.done $0x0  }
0xa: {  	s7 =	simm.s32 $0x1;
	s5 =	sadd.s32 $0x2400, s8;
	[sflag:s3] =	ssyncadd.s32 $0xFFFFFE00  }
0xb: {  	[tilespmem:s6], [sflag:$0x1] =	stream.indirect.gather [hbm4b:s5+s6], $0x80, s2, s6, $0xb8;
	[tilespmem:$0x10200] =	vst v63  }
0xc: {  	_ =	swait.ge [sflag:s7], $0x10000  }
0xd: {  	s16 =	sadd.s32 $0x42400, s8;
	s28 =	sshll.u32 s15, $0x4;
	[sflag:s7] =	ssyncset.done $0x0  }
0xe: {  	s8 =	sadd.s32 s16, s28;
	[sflag:s7] =	ssyncadd.s32 $0xFFFF0000  }
0xf: {  	[hbm4b:s8+s2] =	stream.linear.scatter [tilespmem:s6], [sflag:$0x2], $0x10000, $0x38;
	[tilespmem:$0x10200] =	vst v63  }
0x10: {  	s10 =	sor.u32 $0x200, s15;
	_ =	swait.ge [sflag:s3], $0x10000  }
0x11: {  	s9 =	sshrl.u32 s10, $0x3;
	[sflag:s3] =	ssyncset.done $0x0  }
0x12: {  	s9 =	sadd.s32 s13, s9;
	[sflag:s3] =	ssyncadd.s32 $0xFFFF0000  }
0x13: {  	[tilespmem:s2], [sflag:$0x2] =	stream.linear.gather [hbm4b:s9+s2], $0x200, $0x38;
	[tilespmem:$0x10200] =	vst v63  }
0x14: {  	_ =	swait.ge [sflag:s3], $0x200  }
0x15: {  	[sflag:s3] =	ssyncset.done $0x0  }
0x16: {  	[sflag:s3] =	ssyncadd.s32 $0xFFFFFE00  }
0x17: {  	[tilespmem:s6], [sflag:$0x1] =	stream.indirect.gather [hbm4b:s5+s6], $0x80, s2, s6, $0xb8;
	[tilespmem:$0x10200] =	vst v63  }
0x18: {  	_ =	swait.ge [sflag:s7], $0x10000  }
0x19: {  	s10 =	sshll.u32 s10, $0x4;
	[sflag:s7] =	ssyncset.done $0x0  }
0x1a: {  	s10 =	sadd.s32 s16, s10;
	[sflag:s7] =	ssyncadd.s32 $0xFFFF0000  }
0x1b: {  	[hbm4b:s10+s2] =	stream.linear.scatter [tilespmem:s6], [sflag:$0x2], $0x10000, $0x38;
	[tilespmem:$0x10200] =	vst v63  }
0x1c: {  	s12 =	sor.u32 $0x400, s15;
	_ =	swait.ge [sflag:s3], $0x10000  }
0x1d: {  	s11 =	sshrl.u32 s12, $0x3;
	[sflag:s3] =	ssyncset.done $0x0  }
0x1e: {  	s11 =	sadd.s32 s13, s11;
	[sflag:s3] =	ssyncadd.s32 $0xFFFF0000  }
0x1f: {  	[tilespmem:s2], [sflag:$0x2] =	stream.linear.gather [hbm4b:s11+s2], $0x200, $0x38;
	[tilespmem:$0x10200] =	vst v63  }
0x20: {  	_ =	swait.ge [sflag:s3], $0x200  }
0x21: {  	[sflag:s3] =	ssyncset.done $0x0  }
0x22: {  	[sflag:s3] =	ssyncadd.s32 $0xFFFFFE00  }
0x23: {  	[tilespmem:s6], [sflag:$0x1] =	stream.indirect.gather [hbm4b:s5+s6], $0x80, s2, s6, $0xb8;
	[tilespmem:$0x10200] =	vst v63  }
0x24: {  	_ =	swait.ge [sflag:s7], $0x10000  }
0x25: {  	s12 =	sshll.u32 s12, $0x4;
	[sflag:s7] =	ssyncset.done $0x0  }
0x26: {  	s12 =	sadd.s32 s16, s12;
	[sflag:s7] =	ssyncadd.s32 $0xFFFF0000  }
0x27: {  	[hbm4b:s12+s2] =	stream.linear.scatter [tilespmem:s6], [sflag:$0x2], $0x10000, $0x38;
	[tilespmem:$0x10200] =	vst v63  }
0x28: {  	s15 =	sor.u32 $0x600, s15;
	_ =	swait.ge [sflag:s3], $0x10000  }
0x29: {  	s17 =	sshrl.u32 s15, $0x3;
	[sflag:s3] =	ssyncset.done $0x0  }
0x2a: {  	s14 =	ssub.s32 $0x2, s14;
	s13 =	sadd.s32 s13, s17;
	[sflag:s3] =	ssyncadd.s32 $0xFFFF0000  }
0x2b: {  	[tilespmem:s2], [sflag:$0x2] =	stream.linear.gather [hbm4b:s13+s2], $0x200, $0x38;
	[tilespmem:$0x10200] =	vst v63  }
0x2c: {  	s29 =	sshrl.u32 s14, $0x1;
	_ =	swait.ge [sflag:s3], $0x200  }
0x2d: {  	s17 =	ssub.s32 s14, s29;
	[sflag:s3] =	ssyncset.done $0x0  }
0x2e: {  	s31 =	smax.u32 s17, $0x1;
	[sflag:s3] =	ssyncadd.s32 $0xFFFFFE00  }
0x2f: {  	[tilespmem:s6], [sflag:$0x1] =	stream.indirect.gather [hbm4b:s5+s6], $0x80, s2, s6, $0xb8;
	[tilespmem:$0x10200] =	vst v63  }
0x30: {  	p0 =	sne.s32 s31, $0x1;
	_ =	swait.ge [sflag:s7], $0x10000  }
.Ltmp0:
0x31: {  	s30 =	sshll.u32 s15, $0x4;
	[sflag:s7] =	ssyncset.done $0x0;
	(pc) =	sbr.rel @!p0 .LBB2_2-.Ltmp0, $4  }
0x32: {  	s14 =	sadd.s32 s16, s30;
	[sflag:s7] =	ssyncadd.s32 $0xFFFF0000  }
0x33: {  	[hbm4b:s14+s2] =	stream.linear.scatter [tilespmem:s6], [sflag:$0x2], $0x10000, $0x38;
	[tilespmem:$0x10200] =	vst v63  }
0x34: {  	_ =	swait.ge [sflag:s3], $0x10000  }
0x35: {  	s15 =	sadd.s32 $0xFFFFFFFF, s31;
	[sflag:s3] =	ssyncset.done $0x0  }
.LBB2_1:
0x36: {  	p0 =	sne.s32 s15, $0x1;
	s15 =	sadd.s32 $0xFFFFFFFF, s15;
	[sflag:s3] =	ssyncadd.s32 $0xFFFF0000  }
0x37: {  	[tilespmem:s2], [sflag:$0x2] =	stream.linear.gather [hbm4b:s4+s2], $0x200, $0x38;
	[tilespmem:$0x10200] =	vst v63  }
0x38: {  	_ =	swait.ge [sflag:s3], $0x200  }
0x39: {  	[sflag:s3] =	ssyncset.done $0x0  }
0x3a: {  	[sflag:s3] =	ssyncadd.s32 $0xFFFFFE00  }
0x3b: {  	[tilespmem:s6], [sflag:$0x1] =	stream.indirect.gather [hbm4b:s5+s6], $0x80, s2, s6, $0xb8;
	[tilespmem:$0x10200] =	vst v63  }
0x3c: {  	_ =	swait.ge [sflag:s7], $0x10000  }
0x3d: {  	[sflag:s7] =	ssyncset.done $0x0  }
0x3e: {  	[sflag:s7] =	ssyncadd.s32 $0xFFFF0000  }
0x3f: {  	[hbm4b:s8+s2] =	stream.linear.scatter [tilespmem:s6], [sflag:$0x2], $0x10000, $0x38;
	[tilespmem:$0x10200] =	vst v63  }
0x40: {  	_ =	swait.ge [sflag:s3], $0x10000  }
0x41: {  	[sflag:s3] =	ssyncset.done $0x0  }
0x42: {  	[sflag:s3] =	ssyncadd.s32 $0xFFFF0000  }
0x43: {  	[tilespmem:s2], [sflag:$0x2] =	stream.linear.gather [hbm4b:s9+s2], $0x200, $0x38;
	[tilespmem:$0x10200] =	vst v63  }
0x44: {  	_ =	swait.ge [sflag:s3], $0x200  }
0x45: {  	[sflag:s3] =	ssyncset.done $0x0  }
0x46: {  	[sflag:s3] =	ssyncadd.s32 $0xFFFFFE00  }
0x47: {  	[tilespmem:s6], [sflag:$0x1] =	stream.indirect.gather [hbm4b:s5+s6], $0x80, s2, s6, $0xb8;
	[tilespmem:$0x10200] =	vst v63  }
0x48: {  	_ =	swait.ge [sflag:s7], $0x10000  }
0x49: {  	[sflag:s7] =	ssyncset.done $0x0  }
0x4a: {  	[sflag:s7] =	ssyncadd.s32 $0xFFFF0000  }
0x4b: {  	[hbm4b:s10+s2] =	stream.linear.scatter [tilespmem:s6], [sflag:$0x2], $0x10000, $0x38;
	[tilespmem:$0x10200] =	vst v63  }
0x4c: {  	_ =	swait.ge [sflag:s3], $0x10000  }
0x4d: {  	[sflag:s3] =	ssyncset.done $0x0  }
0x4e: {  	[sflag:s3] =	ssyncadd.s32 $0xFFFF0000  }
0x4f: {  	[tilespmem:s2], [sflag:$0x2] =	stream.linear.gather [hbm4b:s11+s2], $0x200, $0x38;
	[tilespmem:$0x10200] =	vst v63  }
0x50: {  	_ =	swait.ge [sflag:s3], $0x200  }
0x51: {  	[sflag:s3] =	ssyncset.done $0x0  }
0x52: {  	[sflag:s3] =	ssyncadd.s32 $0xFFFFFE00  }
0x53: {  	[tilespmem:s6], [sflag:$0x1] =	stream.indirect.gather [hbm4b:s5+s6], $0x80, s2, s6, $0xb8;
	[tilespmem:$0x10200] =	vst v63  }
0x54: {  	_ =	swait.ge [sflag:s7], $0x10000  }
0x55: {  	[sflag:s7] =	ssyncset.done $0x0  }
0x56: {  	[sflag:s7] =	ssyncadd.s32 $0xFFFF0000  }
0x57: {  	[hbm4b:s12+s2] =	stream.linear.scatter [tilespmem:s6], [sflag:$0x2], $0x10000, $0x38;
	[tilespmem:$0x10200] =	vst v63  }
0x58: {  	_ =	swait.ge [sflag:s3], $0x10000  }
0x59: {  	[sflag:s3] =	ssyncset.done $0x0  }
0x5a: {  	[sflag:s3] =	ssyncadd.s32 $0xFFFF0000  }
0x5b: {  	[tilespmem:s2], [sflag:$0x2] =	stream.linear.gather [hbm4b:s13+s2], $0x200, $0x38;
	[tilespmem:$0x10200] =	vst v63  }
0x5c: {  	_ =	swait.ge [sflag:s3], $0x200  }
0x5d: {  	[sflag:s3] =	ssyncset.done $0x0  }
0x5e: {  	[sflag:s3] =	ssyncadd.s32 $0xFFFFFE00  }
0x5f: {  	[tilespmem:s6], [sflag:$0x1] =	stream.indirect.gather [hbm4b:s5+s6], $0x80, s2, s6, $0xb8;
	[tilespmem:$0x10200] =	vst v63  }
0x60: {  	_ =	swait.ge [sflag:s7], $0x10000  }
.Ltmp1:
0x61: {  	[sflag:s7] =	ssyncset.done $0x0;
	(pc) =	sbr.rel @p0 .LBB2_1-.Ltmp1, $4  }
0x62: {  	[sflag:s7] =	ssyncadd.s32 $0xFFFF0000  }
0x63: {  	[hbm4b:s14+s2] =	stream.linear.scatter [tilespmem:s6], [sflag:$0x2], $0x10000, $0x38;
	[tilespmem:$0x10200] =	vst v63  }
0x64: {  	_ =	swait.ge [sflag:s3], $0x10000  }
0x65: {  	[sflag:s3] =	ssyncset.done $0x0  }
.LBB2_2:
0x66: {  	[sflag:s3] =	ssyncadd.s32 $0xFFFF0000  }
0x67: {  	_ =	sfence.sel $0x180000  }
0x68: {  	[bflag:$0x0] =	sbarrier.arrive $0xFFFF  }
0x69: {  	p0 =	sne.s32 s0, $0x0;
	_ =	strace $0x90000047  }
0x6a: {  	s0 =	sadd.s32 @!p0 $0x100000, s1;
	[bflag:$0x2] =	sbarrier.arrive $0xFFFF  }
0x6b: {  	[sflag:s0] =	ssyncadd.tile.s32 @!p0 $0x1;
	_ =	shalt  }
.Lfunc_end2:
_tile_overlayer_lowered:
.L_overlay_start_2:
0x6c: {  	(tag) =	ssettag $0x2  }
0x6d: {  	s0 =	rddreg [dreg:$0x0];
	s2 =	stileid.u32  }
0x6e: {  	s1 =	rddreg [dreg:$0x1];
	p0 =	sne.s32 s2, $0x0  }
0x6f: {  	s3 =	rddreg [dreg:$0x2];
	[bflag:$0x3] =	sbarrier.arrive $0xFFFF;
	s2 =	simm.s32 @!p0 $0x1C02  }
0x70: {  	[timem:s3], [sflag:s2] =	dma.local @!p0 [hbm:s0], s1  }
0x71: {  	s0 =	simm.s32 @!p0 $0x2  }
0x72: {  	_ =	swait.ge @!p0 [sflag:s0], s1  }
0x73: {  	s1 =	ssub.s32 @!p0 $0x0, s1;
	[sflag:s0] =	ssyncset.done @!p0 $0x0  }
0x74: {  	[sflag:s0] =	ssyncadd.s32 @!p0 s1  }
0x75: {  	[bflag:$0x3] =	sbarrier.arrive $0xFFFF  }
0x76: {  	_ =	shalt  }

</sc_bundles>
